<compile_context>
chip_gen: v7x
topology: tpu7x:2x2x1
jax: 0.10.2.dev20260603
libtpu: 0.0.44.dev20260713+nightly
codegen_flags: <defaults>
</compile_context>

<pallas_src>
import functools

import jax
import jax.numpy as jnp
from jax import lax
from jax.experimental import pallas as pl
from jax.experimental.pallas import tpu as pltpu
from jax.experimental.pallas import tpu_sc as plsc

N_EMBD = 64
BATCH = 16384

_info = plsc.get_sparse_core_info()
_NC, _NS, _NL = _info.num_cores, _info.num_subcores, _info.num_lanes
_NW = _NC * _NS
_B_PER_W = BATCH // _NW


@functools.partial(
    pl.kernel,
    mesh=plsc.VectorSubcoreMesh(core_axis_name="c", subcore_axis_name="s"),
    out_type=jax.ShapeDtypeStruct((BATCH, N_EMBD), jnp.float32),
    scratch_types=[
        pltpu.VMEM((_B_PER_W,), jnp.int32),
        pltpu.VMEM((_B_PER_W, N_EMBD), jnp.float32),
        pltpu.SemaphoreType.DMA,
    ],
)
def _gather_kernel(table_hbm, idx_hbm, out_hbm, idx_s, rows_v, sem):
    wid = lax.axis_index("s") * _NC + lax.axis_index("c")
    base = wid * _B_PER_W
    pltpu.sync_copy(idx_hbm.at[wid], idx_s)

    _GRP = 4 * _NL

    def fire_group(g, _):
        for q in range(_GRP // _NL):
            v = idx_s[pl.ds(g * _GRP + q * _NL, _NL)]
            for t in range(_NL):
                pltpu.async_copy(
                    table_hbm.at[v[t]],
                    rows_v.at[g * _GRP + q * _NL + t],
                    sem,
                )
        return 0

    lax.fori_loop(0, _B_PER_W // _GRP, fire_group, 0)
    pltpu.make_async_copy(
        table_hbm.at[pl.ds(0, _B_PER_W)], rows_v, sem
    ).wait()
    pltpu.sync_copy(rows_v, out_hbm.at[pl.ds(base, _B_PER_W)])


def kernel(y, table):
    idx = y.astype(jnp.int32).reshape(_NW, _B_PER_W)
    return _gather_kernel(table, idx)

# --- scband reference (transcript-rebuilt; emitter-appended) ---
"""Pipeline reference for scband-label-embedder-89575837925637 (READ-ONLY COPY).

The authoritative reference and input builder live on the scoring server;
editing this copy changes nothing except your own understanding.
"""

import jax, jax.numpy as jnp
import numpy as np

NUM_CLASSES = 1000000
N_EMBD = 64
BATCH = 16384

def setup_inputs(seed: int = 0) -> dict:
    key = jax.random.key(seed)
    k1, k2 = jax.random.split(key)
    y = jax.random.randint(k1, (BATCH,), 0, NUM_CLASSES, dtype=jnp.int64 if jax.config.jax_enable_x64 else jnp.int32)
    # Embedding table: (num_classes + 1, n_embd), last row is the 'dropped label' embedding
    table = jax.random.normal(k2, (NUM_CLASSES + 1, N_EMBD), dtype=jnp.float32)
    return {"y": y, "table": table}

def reference(y, table):
    # Eval-mode forward (no label dropout, force_drop=False):
    # y: (B,) int; returns (B, C) = table[y]
    y = y.astype(jnp.int32)
    return jnp.take(table, y, axis=0)

if __name__ == "__main__":
    import jax
    _d = setup_inputs()
    print(jax.jit(kernel)(*tuple(_d.values())))

</pallas_src>

<mosaic_0001>
#map = affine_map<(d0, d1) -> (0, 0)>
module attributes {stable_mosaic.version = 14 : i64} {
  func.func @_gather_kernel(%arg0: i32, %arg1: i32, %arg2: memref<1000001x64xf32, #tpu.memory_space<hbm>>, %arg3: memref<32x512xi32, #tpu.memory_space<hbm>>, %arg4: memref<16384x64xf32, #tpu.memory_space<hbm>>, %arg5: memref<512xi32, #tpu.memory_space<vmem>>, %arg6: memref<512x64xf32, #tpu.memory_space<vmem>>, %arg7: memref<!tpu.dma_semaphore, #tpu.memory_space<semaphore_mem>>) attributes {dimension_semantics = [#tpu.dimension_semantics<core_parallel>, #tpu.dimension_semantics<subcore_parallel>], iteration_bounds = array<i64: 2, 16>, scalar_prefetch = 0 : i64, scratch_operands = 3 : i64, tpu.core_type = #tpu.core_type<sc_vector_subcore>, window_params = [{transform_indices = #map}, {transform_indices = #map}, {transform_indices = #map}]} {
    %mul3A = arith.constant 2 : i32
    %mul3A_0 = arith.muli %arg1, %mul3A : i32
    %add3A = arith.addi %mul3A_0, %arg0 : i32
    %mul3A_1 = arith.constant 512 : i32
    %mul3A_2 = arith.muli %add3A, %mul3A_1 : i32
    "tpu.region"() ({
      %run_scoped3A = tpu.sem_alloc : memref<!tpu.dma_semaphore, #tpu.memory_space<semaphore_mem>>
      %dma_start3A = arith.constant 0 : i32
      %dma_start3A_14 = tpu.memref_slice %arg3[%add3A, %dma_start3A] : memref<32x512xi32, #tpu.memory_space<hbm>> -> memref<1x512xi32, #tpu.memory_space<hbm>>
      %dma_start3A_15 = tpu.memref_squeeze %dma_start3A_14 : memref<1x512xi32, #tpu.memory_space<hbm>> -> memref<512xi32, #tpu.memory_space<hbm>>
      %dma_start3A_16 = arith.constant 0 : i32
      %dma_start3A_17 = tpu.memref_slice %arg3[%add3A, %dma_start3A_16] : memref<32x512xi32, #tpu.memory_space<hbm>> -> memref<1x512xi32, #tpu.memory_space<hbm>>
      %dma_start3A_18 = tpu.memref_squeeze %dma_start3A_17 : memref<1x512xi32, #tpu.memory_space<hbm>> -> memref<512xi32, #tpu.memory_space<hbm>>
      tpu.enqueue_dma source(%dma_start3A_18 : memref<512xi32, #tpu.memory_space<hbm>>) target(%arg5 : memref<512xi32, #tpu.memory_space<vmem>>) target_semaphore(%run_scoped3A : memref<!tpu.dma_semaphore, #tpu.memory_space<semaphore_mem>>)
      %dma_wait3A_19 = arith.constant 0 : i32
      %dma_wait3A_20 = tpu.memref_slice %arg3[%add3A, %dma_wait3A_19] : memref<32x512xi32, #tpu.memory_space<hbm>> -> memref<1x512xi32, #tpu.memory_space<hbm>>
      %dma_wait3A_21 = tpu.memref_squeeze %dma_wait3A_20 : memref<1x512xi32, #tpu.memory_space<hbm>> -> memref<512xi32, #tpu.memory_space<hbm>>
      %dma_wait3A_22 = arith.constant 0 : i32
      %dma_wait3A_23 = tpu.memref_slice %arg3[%add3A, %dma_wait3A_22] : memref<32x512xi32, #tpu.memory_space<hbm>> -> memref<1x512xi32, #tpu.memory_space<hbm>>
      %dma_wait3A_24 = tpu.memref_squeeze %dma_wait3A_23 : memref<1x512xi32, #tpu.memory_space<hbm>> -> memref<512xi32, #tpu.memory_space<hbm>>
      tpu.wait_dma2 semaphore(%run_scoped3A : memref<!tpu.dma_semaphore, #tpu.memory_space<semaphore_mem>>) src(%dma_wait3A_24 : memref<512xi32, #tpu.memory_space<hbm>>) dst(%arg5 : memref<512xi32, #tpu.memory_space<vmem>>)
      tpu.yield
    }) : () -> ()
    %scan3A = arith.constant 0 : i32
    %scan3A_3 = arith.constant 0 : i32
    %scan3A_4 = arith.constant 8 : i32
    %scan3A_5 = arith.addi %scan3A_3, %scan3A_4 : i32
    %scan3A_6 = arith.constant 1 : i32
    %scan3A_7 = scf.for %scan3A_14 = %scan3A_3 to %scan3A_5 step %scan3A_6 iter_args(%scan3A_15 = %scan3A) -> (i32)  : i32 {
      %mul3A_16 = arith.constant 64 : i32
      %mul3A_17 = arith.muli %scan3A_14, %mul3A_16 : i32
      %add3A_18 = arith.constant 0 : i32
      %add3A_19 = arith.addi %mul3A_17, %add3A_18 : i32
      %get3A = arith.index_cast %add3A_19 : i32 to index
      %get3A_20 = tpu.vector_load %arg5[%get3A] {strides = array<i32>} : memref<512xi32, #tpu.memory_space<vmem>>, vector<16xi32>,
      %get3A_21 = vector.shape_cast %get3A_20 : vector<16xi32> to vector<16xi32>
      %slice3A = vector.extract_strided_slice %get3A_21 {offsets = [0], sizes = [1], strides = [1]} : vector<16xi32> to vector<1xi32>
      %squeeze3A = vector.extract %slice3A[0] : i32 from vector<1xi32>
      %mul3A_22 = arith.constant 64 : i32
      %mul3A_23 = arith.muli %scan3A_14, %mul3A_22 : i32
      %add3A_24 = arith.constant 0 : i32
      %add3A_25 = arith.addi %mul3A_23, %add3A_24 : i32
      %add3A_26 = arith.constant 0 : i32
      %add3A_27 = arith.addi %add3A_25, %add3A_26 : i32
      %dma_start3A = arith.constant 0 : i32
      %dma_start3A_28 = tpu.memref_slice %arg6[%add3A_27, %dma_start3A] : memref<512x64xf32, #tpu.memory_space<vmem>> -> memref<1x64xf32, #tpu.memory_space<vmem>>
      %dma_start3A_29 = tpu.memref_squeeze %dma_start3A_28 : memref<1x64xf32, #tpu.memory_space<vmem>> -> memref<64xf32, #tpu.memory_space<vmem>>
      %dma_start3A_30 = arith.constant 0 : i32
      %dma_start3A_31 = tpu.memref_slice %arg2[%squeeze3A, %dma_start3A_30] : memref<1000001x64xf32, #tpu.memory_space<hbm>> -> memref<1x64xf32, #tpu.memory_space<hbm>>
      %dma_start3A_32 = tpu.memref_squeeze %dma_start3A_31 : memref<1x64xf32, #tpu.memory_space<hbm>> -> memref<64xf32, #tpu.memory_space<hbm>>
      %dma_start3A_33 = arith.constant 0 : i32
      %dma_start3A_34 = tpu.memref_slice %arg6[%add3A_27, %dma_start3A_33] : memref<512x64xf32, #tpu.memory_space<vmem>> -> memref<1x64xf32, #tpu.memory_space<vmem>>
      %dma_start3A_35 = tpu.memref_squeeze %dma_start3A_34 : memref<1x64xf32, #tpu.memory_space<vmem>> -> memref<64xf32, #tpu.memory_space<vmem>>
      %dma_start3A_36 = arith.constant 0 : i32
      %dma_start3A_37 = tpu.memref_slice %arg2[%squeeze3A, %dma_start3A_36] : memref<1000001x64xf32, #tpu.memory_space<hbm>> -> memref<1x64xf32, #tpu.memory_space<hbm>>
      %dma_start3A_38 = tpu.memref_squeeze %dma_start3A_37 : memref<1x64xf32, #tpu.memory_space<hbm>> -> memref<64xf32, #tpu.memory_space<hbm>>
      tpu.enqueue_dma source(%dma_start3A_38 : memref<64xf32, #tpu.memory_space<hbm>>) target(%dma_start3A_35 : memref<64xf32, #tpu.memory_space<vmem>>) target_semaphore(%arg7 : memref<!tpu.dma_semaphore, #tpu.memory_space<semaphore_mem>>)
      %slice3A_39 = vector.extract_strided_slice %get3A_21 {offsets = [1], sizes = [1], strides = [1]} : vector<16xi32> to vector<1xi32>
      %squeeze3A_40 = vector.extract %slice3A_39[0] : i32 from vector<1xi32>
      %mul3A_41 = arith.constant 64 : i32
      %mul3A_42 = arith.muli %scan3A_14, %mul3A_41 : i32
      %add3A_43 = arith.constant 0 : i32
      %add3A_44 = arith.addi %mul3A_42, %add3A_43 : i32
      %add3A_45 = arith.constant 1 : i32
      %add3A_46 = arith.addi %add3A_44, %add3A_45 : i32
      %dma_start3A_47 = arith.constant 0 : i32
      %dma_start3A_48 = tpu.memref_slice %arg6[%add3A_46, %dma_start3A_47] : memref<512x64xf32, #tpu.memory_space<vmem>> -> memref<1x64xf32, #tpu.memory_space<vmem>>
      %dma_start3A_49 = tpu.memref_squeeze %dma_start3A_48 : memref<1x64xf32, #tpu.memory_space<vmem>> -> memref<64xf32, #tpu.memory_space<vmem>>
      %dma_start3A_50 = arith.constant 0 : i32
      %dma_start3A_51 = tpu.memref_slice %arg2[%squeeze3A_40, %dma_start3A_50] : memref<1000001x64xf32, #tpu.memory_space<hbm>> -> memref<1x64xf32, #tpu.memory_space<hbm>>
      %dma_start3A_52 = tpu.memref_squeeze %dma_start3A_51 : memref<1x64xf32, #tpu.memory_space<hbm>> -> memref<64xf32, #tpu.memory_space<hbm>>
      %dma_start3A_53 = arith.constant 0 : i32
      %dma_start3A_54 = tpu.memref_slice %arg6[%add3A_46, %dma_start3A_53] : memref<512x64xf32, #tpu.memory_space<vmem>> -> memref<1x64xf32, #tpu.memory_space<vmem>>
      %dma_start3A_55 = tpu.memref_squeeze %dma_start3A_54 : memref<1x64xf32, #tpu.memory_space<vmem>> -> memref<64xf32, #tpu.memory_space<vmem>>
      %dma_start3A_56 = arith.constant 0 : i32
      %dma_start3A_57 = tpu.memref_slice %arg2[%squeeze3A_40, %dma_start3A_56] : memref<1000001x64xf32, #tpu.memory_space<hbm>> -> memref<1x64xf32, #tpu.memory_space<hbm>>
      %dma_start3A_58 = tpu.memref_squeeze %dma_start3A_57 : memref<1x64xf32, #tpu.memory_space<hbm>> -> memref<64xf32, #tpu.memory_space<hbm>>
      tpu.enqueue_dma source(%dma_start3A_58 : memref<64xf32, #tpu.memory_space<hbm>>) target(%dma_start3A_55 : memref<64xf32, #tpu.memory_space<vmem>>) target_semaphore(%arg7 : memref<!tpu.dma_semaphore, #tpu.memory_space<semaphore_mem>>)
      %slice3A_59 = vector.extract_strided_slice %get3A_21 {offsets = [2], sizes = [1], strides = [1]} : vector<16xi32> to vector<1xi32>
      %squeeze3A_60 = vector.extract %slice3A_59[0] : i32 from vector<1xi32>
      %mul3A_61 = arith.constant 64 : i32
      %mul3A_62 = arith.muli %scan3A_14, %mul3A_61 : i32
      %add3A_63 = arith.constant 0 : i32
      %add3A_64 = arith.addi %mul3A_62, %add3A_63 : i32
      %add3A_65 = arith.constant 2 : i32
      %add3A_66 = arith.addi %add3A_64, %add3A_65 : i32
      %dma_start3A_67 = arith.constant 0 : i32
      %dma_start3A_68 = tpu.memref_slice %arg6[%add3A_66, %dma_start3A_67] : memref<512x64xf32, #tpu.memory_space<vmem>> -> memref<1x64xf32, #tpu.memory_space<vmem>>
      %dma_start3A_69 = tpu.memref_squeeze %dma_start3A_68 : memref<1x64xf32, #tpu.memory_space<vmem>> -> memref<64xf32, #tpu.memory_space<vmem>>
      %dma_start3A_70 = arith.constant 0 : i32
      %dma_start3A_71 = tpu.memref_slice %arg2[%squeeze3A_60, %dma_start3A_70] : memref<1000001x64xf32, #tpu.memory_space<hbm>> -> memref<1x64xf32, #tpu.memory_space<hbm>>
      %dma_start3A_72 = tpu.memref_squeeze %dma_start3A_71 : memref<1x64xf32, #tpu.memory_space<hbm>> -> memref<64xf32, #tpu.memory_space<hbm>>
      %dma_start3A_73 = arith.constant 0 : i32
      %dma_start3A_74 = tpu.memref_slice %arg6[%add3A_66, %dma_start3A_73] : memref<512x64xf32, #tpu.memory_space<vmem>> -> memref<1x64xf32, #tpu.memory_space<vmem>>
      %dma_start3A_75 = tpu.memref_squeeze %dma_start3A_74 : memref<1x64xf32, #tpu.memory_space<vmem>> -> memref<64xf32, #tpu.memory_space<vmem>>
      %dma_start3A_76 = arith.constant 0 : i32
      %dma_start3A_77 = tpu.memref_slice %arg2[%squeeze3A_60, %dma_start3A_76] : memref<1000001x64xf32, #tpu.memory_space<hbm>> -> memref<1x64xf32, #tpu.memory_space<hbm>>
      %dma_start3A_78 = tpu.memref_squeeze %dma_start3A_77 : memref<1x64xf32, #tpu.memory_space<hbm>> -> memref<64xf32, #tpu.memory_space<hbm>>
      tpu.enqueue_dma source(%dma_start3A_78 : memref<64xf32, #tpu.memory_space<hbm>>) target(%dma_start3A_75 : memref<64xf32, #tpu.memory_space<vmem>>) target_semaphore(%arg7 : memref<!tpu.dma_semaphore, #tpu.memory_space<semaphore_mem>>)
      %slice3A_79 = vector.extract_strided_slice %get3A_21 {offsets = [3], sizes = [1], strides = [1]} : vector<16xi32> to vector<1xi32>
      %squeeze3A_80 = vector.extract %slice3A_79[0] : i32 from vector<1xi32>
      %mul3A_81 = arith.constant 64 : i32
      %mul3A_82 = arith.muli %scan3A_14, %mul3A_81 : i32
      %add3A_83 = arith.constant 0 : i32
      %add3A_84 = arith.addi %mul3A_82, %add3A_83 : i32
      %add3A_85 = arith.constant 3 : i32
      %add3A_86 = arith.addi %add3A_84, %add3A_85 : i32
      %dma_start3A_87 = arith.constant 0 : i32
      %dma_start3A_88 = tpu.memref_slice %arg6[%add3A_86, %dma_start3A_87] : memref<512x64xf32, #tpu.memory_space<vmem>> -> memref<1x64xf32, #tpu.memory_space<vmem>>
      %dma_start3A_89 = tpu.memref_squeeze %dma_start3A_88 : memref<1x64xf32, #tpu.memory_space<vmem>> -> memref<64xf32, #tpu.memory_space<vmem>>
      %dma_start3A_90 = arith.constant 0 : i32
      %dma_start3A_91 = tpu.memref_slice %arg2[%squeeze3A_80, %dma_start3A_90] : memref<1000001x64xf32, #tpu.memory_space<hbm>> -> memref<1x64xf32, #tpu.memory_space<hbm>>
      %dma_start3A_92 = tpu.memref_squeeze %dma_start3A_91 : memref<1x64xf32, #tpu.memory_space<hbm>> -> memref<64xf32, #tpu.memory_space<hbm>>
      %dma_start3A_93 = arith.constant 0 : i32
      %dma_start3A_94 = tpu.memref_slice %arg6[%add3A_86, %dma_start3A_93] : memref<512x64xf32, #tpu.memory_space<vmem>> -> memref<1x64xf32, #tpu.memory_space<vmem>>
      %dma_start3A_95 = tpu.memref_squeeze %dma_start3A_94 : memref<1x64xf32, #tpu.memory_space<vmem>> -> memref<64xf32, #tpu.memory_space<vmem>>
      %dma_start3A_96 = arith.constant 0 : i32
      %dma_start3A_97 = tpu.memref_slice %arg2[%squeeze3A_80, %dma_start3A_96] : memref<1000001x64xf32, #tpu.memory_space<hbm>> -> memref<1x64xf32, #tpu.memory_space<hbm>>
      %dma_start3A_98 = tpu.memref_squeeze %dma_start3A_97 : memref<1x64xf32, #tpu.memory_space<hbm>> -> memref<64xf32, #tpu.memory_space<hbm>>
      tpu.enqueue_dma source(%dma_start3A_98 : memref<64xf32, #tpu.memory_space<hbm>>) target(%dma_start3A_95 : memref<64xf32, #tpu.memory_space<vmem>>) target_semaphore(%arg7 : memref<!tpu.dma_semaphore, #tpu.memory_space<semaphore_mem>>)
      %slice3A_99 = vector.extract_strided_slice %get3A_21 {offsets = [4], sizes = [1], strides = [1]} : vector<16xi32> to vector<1xi32>
      %squeeze3A_100 = vector.extract %slice3A_99[0] : i32 from vector<1xi32>
      %mul3A_101 = arith.constant 64 : i32
      %mul3A_102 = arith.muli %scan3A_14, %mul3A_101 : i32
      %add3A_103 = arith.constant 0 : i32
      %add3A_104 = arith.addi %mul3A_102, %add3A_103 : i32
      %add3A_105 = arith.constant 4 : i32
      %add3A_106 = arith.addi %add3A_104, %add3A_105 : i32
      %dma_start3A_107 = arith.constant 0 : i32
      %dma_start3A_108 = tpu.memref_slice %arg6[%add3A_106, %dma_start3A_107] : memref<512x64xf32, #tpu.memory_space<vmem>> -> memref<1x64xf32, #tpu.memory_space<vmem>>
      %dma_start3A_109 = tpu.memref_squeeze %dma_start3A_108 : memref<1x64xf32, #tpu.memory_space<vmem>> -> memref<64xf32, #tpu.memory_space<vmem>>
      %dma_start3A_110 = arith.constant 0 : i32
      %dma_start3A_111 = tpu.memref_slice %arg2[%squeeze3A_100, %dma_start3A_110] : memref<1000001x64xf32, #tpu.memory_space<hbm>> -> memref<1x64xf32, #tpu.memory_space<hbm>>
      %dma_start3A_112 = tpu.memref_squeeze %dma_start3A_111 : memref<1x64xf32, #tpu.memory_space<hbm>> -> memref<64xf32, #tpu.memory_space<hbm>>
      %dma_start3A_113 = arith.constant 0 : i32
      %dma_start3A_114 = tpu.memref_slice %arg6[%add3A_106, %dma_start3A_113] : memref<512x64xf32, #tpu.memory_space<vmem>> -> memref<1x64xf32, #tpu.memory_space<vmem>>
      %dma_start3A_115 = tpu.memref_squeeze %dma_start3A_114 : memref<1x64xf32, #tpu.memory_space<vmem>> -> memref<64xf32, #tpu.memory_space<vmem>>
      %dma_start3A_116 = arith.constant 0 : i32
      %dma_start3A_117 = tpu.memref_slice %arg2[%squeeze3A_100, %dma_start3A_116] : memref<1000001x64xf32, #tpu.memory_space<hbm>> -> memref<1x64xf32, #tpu.memory_space<hbm>>
      %dma_start3A_118 = tpu.memref_squeeze %dma_start3A_117 : memref<1x64xf32, #tpu.memory_space<hbm>> -> memref<64xf32, #tpu.memory_space<hbm>>
      tpu.enqueue_dma source(%dma_start3A_118 : memref<64xf32, #tpu.memory_space<hbm>>) target(%dma_start3A_115 : memref<64xf32, #tpu.memory_space<vmem>>) target_semaphore(%arg7 : memref<!tpu.dma_semaphore, #tpu.memory_space<semaphore_mem>>)
      %slice3A_119 = vector.extract_strided_slice %get3A_21 {offsets = [5], sizes = [1], strides = [1]} : vector<16xi32> to vector<1xi32>
      %squeeze3A_120 = vector.extract %slice3A_119[0] : i32 from vector<1xi32>
      %mul3A_121 = arith.constant 64 : i32
      %mul3A_122 = arith.muli %scan3A_14, %mul3A_121 : i32
      %add3A_123 = arith.constant 0 : i32
      %add3A_124 = arith.addi %mul3A_122, %add3A_123 : i32
      %add3A_125 = arith.constant 5 : i32
      %add3A_126 = arith.addi %add3A_124, %add3A_125 : i32
      %dma_start3A_127 = arith.constant 0 : i32
      %dma_start3A_128 = tpu.memref_slice %arg6[%add3A_126, %dma_start3A_127] : memref<512x64xf32, #tpu.memory_space<vmem>> -> memref<1x64xf32, #tpu.memory_space<vmem>>
      %dma_start3A_129 = tpu.memref_squeeze %dma_start3A_128 : memref<1x64xf32, #tpu.memory_space<vmem>> -> memref<64xf32, #tpu.memory_space<vmem>>
      %dma_start3A_130 = arith.constant 0 : i32
      %dma_start3A_131 = tpu.memref_slice %arg2[%squeeze3A_120, %dma_start3A_130] : memref<1000001x64xf32, #tpu.memory_space<hbm>> -> memref<1x64xf32, #tpu.memory_space<hbm>>
      %dma_start3A_132 = tpu.memref_squeeze %dma_start3A_131 : memref<1x64xf32, #tpu.memory_space<hbm>> -> memref<64xf32, #tpu.memory_space<hbm>>
      %dma_start3A_133 = arith.constant 0 : i32
      %dma_start3A_134 = tpu.memref_slice %arg6[%add3A_126, %dma_start3A_133] : memref<512x64xf32, #tpu.memory_space<vmem>> -> memref<1x64xf32, #tpu.memory_space<vmem>>
      %dma_start3A_135 = tpu.memref_squeeze %dma_start3A_134 : memref<1x64xf32, #tpu.memory_space<vmem>> -> memref<64xf32, #tpu.memory_space<vmem>>
      %dma_start3A_136 = arith.constant 0 : i32
      %dma_start3A_137 = tpu.memref_slice %arg2[%squeeze3A_120, %dma_start3A_136] : memref<1000001x64xf32, #tpu.memory_space<hbm>> -> memref<1x64xf32, #tpu.memory_space<hbm>>
      %dma_start3A_138 = tpu.memref_squeeze %dma_start3A_137 : memref<1x64xf32, #tpu.memory_space<hbm>> -> memref<64xf32, #tpu.memory_space<hbm>>
      tpu.enqueue_dma source(%dma_start3A_138 : memref<64xf32, #tpu.memory_space<hbm>>) target(%dma_start3A_135 : memref<64xf32, #tpu.memory_space<vmem>>) target_semaphore(%arg7 : memref<!tpu.dma_semaphore, #tpu.memory_space<semaphore_mem>>)
      %slice3A_139 = vector.extract_strided_slice %get3A_21 {offsets = [6], sizes = [1], strides = [1]} : vector<16xi32> to vector<1xi32>
      %squeeze3A_140 = vector.extract %slice3A_139[0] : i32 from vector<1xi32>
      %mul3A_141 = arith.constant 64 : i32
      %mul3A_142 = arith.muli %scan3A_14, %mul3A_141 : i32
      %add3A_143 = arith.constant 0 : i32
      %add3A_144 = arith.addi %mul3A_142, %add3A_143 : i32
      %add3A_145 = arith.constant 6 : i32
      %add3A_146 = arith.addi %add3A_144, %add3A_145 : i32
      %dma_start3A_147 = arith.constant 0 : i32
      %dma_start3A_148 = tpu.memref_slice %arg6[%add3A_146, %dma_start3A_147] : memref<512x64xf32, #tpu.memory_space<vmem>> -> memref<1x64xf32, #tpu.memory_space<vmem>>
      %dma_start3A_149 = tpu.memref_squeeze %dma_start3A_148 : memref<1x64xf32, #tpu.memory_space<vmem>> -> memref<64xf32, #tpu.memory_space<vmem>>
      %dma_start3A_150 = arith.constant 0 : i32
      %dma_start3A_151 = tpu.memref_slice %arg2[%squeeze3A_140, %dma_start3A_150] : memref<1000001x64xf32, #tpu.memory_space<hbm>> -> memref<1x64xf32, #tpu.memory_space<hbm>>
      %dma_start3A_152 = tpu.memref_squeeze %dma_start3A_151 : memref<1x64xf32, #tpu.memory_space<hbm>> -> memref<64xf32, #tpu.memory_space<hbm>>
      %dma_start3A_153 = arith.constant 0 : i32
      %dma_start3A_154 = tpu.memref_slice %arg6[%add3A_146, %dma_start3A_153] : memref<512x64xf32, #tpu.memory_space<vmem>> -> memref<1x64xf32, #tpu.memory_space<vmem>>
      %dma_start3A_155 = tpu.memref_squeeze %dma_start3A_154 : memref<1x64xf32, #tpu.memory_space<vmem>> -> memref<64xf32, #tpu.memory_space<vmem>>
      %dma_start3A_156 = arith.constant 0 : i32
      %dma_start3A_157 = tpu.memref_slice %arg2[%squeeze3A_140, %dma_start3A_156] : memref<1000001x64xf32, #tpu.memory_space<hbm>> -> memref<1x64xf32, #tpu.memory_space<hbm>>
      %dma_start3A_158 = tpu.memref_squeeze %dma_start3A_157 : memref<1x64xf32, #tpu.memory_space<hbm>> -> memref<64xf32, #tpu.memory_space<hbm>>
      tpu.enqueue_dma source(%dma_start3A_158 : memref<64xf32, #tpu.memory_space<hbm>>) target(%dma_start3A_155 : memref<64xf32, #tpu.memory_space<vmem>>) target_semaphore(%arg7 : memref<!tpu.dma_semaphore, #tpu.memory_space<semaphore_mem>>)
      %slice3A_159 = vector.extract_strided_slice %get3A_21 {offsets = [7], sizes = [1], strides = [1]} : vector<16xi32> to vector<1xi32>
      %squeeze3A_160 = vector.extract %slice3A_159[0] : i32 from vector<1xi32>
      %mul3A_161 = arith.constant 64 : i32
      %mul3A_162 = arith.muli %scan3A_14, %mul3A_161 : i32
      %add3A_163 = arith.constant 0 : i32
      %add3A_164 = arith.addi %mul3A_162, %add3A_163 : i32
      %add3A_165 = arith.constant 7 : i32
      %add3A_166 = arith.addi %add3A_164, %add3A_165 : i32
      %dma_start3A_167 = arith.constant 0 : i32
      %dma_start3A_168 = tpu.memref_slice %arg6[%add3A_166, %dma_start3A_167] : memref<512x64xf32, #tpu.memory_space<vmem>> -> memref<1x64xf32, #tpu.memory_space<vmem>>
      %dma_start3A_169 = tpu.memref_squeeze %dma_start3A_168 : memref<1x64xf32, #tpu.memory_space<vmem>> -> memref<64xf32, #tpu.memory_space<vmem>>
      %dma_start3A_170 = arith.constant 0 : i32
      %dma_start3A_171 = tpu.memref_slice %arg2[%squeeze3A_160, %dma_start3A_170] : memref<1000001x64xf32, #tpu.memory_space<hbm>> -> memref<1x64xf32, #tpu.memory_space<hbm>>
      %dma_start3A_172 = tpu.memref_squeeze %dma_start3A_171 : memref<1x64xf32, #tpu.memory_space<hbm>> -> memref<64xf32, #tpu.memory_space<hbm>>
      %dma_start3A_173 = arith.constant 0 : i32
      %dma_start3A_174 = tpu.memref_slice %arg6[%add3A_166, %dma_start3A_173] : memref<512x64xf32, #tpu.memory_space<vmem>> -> memref<1x64xf32, #tpu.memory_space<vmem>>
      %dma_start3A_175 = tpu.memref_squeeze %dma_start3A_174 : memref<1x64xf32, #tpu.memory_space<vmem>> -> memref<64xf32, #tpu.memory_space<vmem>>
      %dma_start3A_176 = arith.constant 0 : i32
      %dma_start3A_177 = tpu.memref_slice %arg2[%squeeze3A_160, %dma_start3A_176] : memref<1000001x64xf32, #tpu.memory_space<hbm>> -> memref<1x64xf32, #tpu.memory_space<hbm>>
      %dma_start3A_178 = tpu.memref_squeeze %dma_start3A_177 : memref<1x64xf32, #tpu.memory_space<hbm>> -> memref<64xf32, #tpu.memory_space<hbm>>
      tpu.enqueue_dma source(%dma_start3A_178 : memref<64xf32, #tpu.memory_space<hbm>>) target(%dma_start3A_175 : memref<64xf32, #tpu.memory_space<vmem>>) target_semaphore(%arg7 : memref<!tpu.dma_semaphore, #tpu.memory_space<semaphore_mem>>)
      %slice3A_179 = vector.extract_strided_slice %get3A_21 {offsets = [8], sizes = [1], strides = [1]} : vector<16xi32> to vector<1xi32>
      %squeeze3A_180 = vector.extract %slice3A_179[0] : i32 from vector<1xi32>
      %mul3A_181 = arith.constant 64 : i32
      %mul3A_182 = arith.muli %scan3A_14, %mul3A_181 : i32
      %add3A_183 = arith.constant 0 : i32
      %add3A_184 = arith.addi %mul3A_182, %add3A_183 : i32
      %add3A_185 = arith.constant 8 : i32
      %add3A_186 = arith.addi %add3A_184, %add3A_185 : i32
      %dma_start3A_187 = arith.constant 0 : i32
      %dma_start3A_188 = tpu.memref_slice %arg6[%add3A_186, %dma_start3A_187] : memref<512x64xf32, #tpu.memory_space<vmem>> -> memref<1x64xf32, #tpu.memory_space<vmem>>
      %dma_start3A_189 = tpu.memref_squeeze %dma_start3A_188 : memref<1x64xf32, #tpu.memory_space<vmem>> -> memref<64xf32, #tpu.memory_space<vmem>>
      %dma_start3A_190 = arith.constant 0 : i32
      %dma_start3A_191 = tpu.memref_slice %arg2[%squeeze3A_180, %dma_start3A_190] : memref<1000001x64xf32, #tpu.memory_space<hbm>> -> memref<1x64xf32, #tpu.memory_space<hbm>>
      %dma_start3A_192 = tpu.memref_squeeze %dma_start3A_191 : memref<1x64xf32, #tpu.memory_space<hbm>> -> memref<64xf32, #tpu.memory_space<hbm>>
      %dma_start3A_193 = arith.constant 0 : i32
      %dma_start3A_194 = tpu.memref_slice %arg6[%add3A_186, %dma_start3A_193] : memref<512x64xf32, #tpu.memory_space<vmem>> -> memref<1x64xf32, #tpu.memory_space<vmem>>
      %dma_start3A_195 = tpu.memref_squeeze %dma_start3A_194 : memref<1x64xf32, #tpu.memory_space<vmem>> -> memref<64xf32, #tpu.memory_space<vmem>>
      %dma_start3A_196 = arith.constant 0 : i32
      %dma_start3A_197 = tpu.memref_slice %arg2[%squeeze3A_180, %dma_start3A_196] : memref<1000001x64xf32, #tpu.memory_space<hbm>> -> memref<1x64xf32, #tpu.memory_space<hbm>>
      %dma_start3A_198 = tpu.memref_squeeze %dma_start3A_197 : memref<1x64xf32, #tpu.memory_space<hbm>> -> memref<64xf32, #tpu.memory_space<hbm>>
      tpu.enqueue_dma source(%dma_start3A_198 : memref<64xf32, #tpu.memory_space<hbm>>) target(%dma_start3A_195 : memref<64xf32, #tpu.memory_space<vmem>>) target_semaphore(%arg7 : memref<!tpu.dma_semaphore, #tpu.memory_space<semaphore_mem>>)
      %slice3A_199 = vector.extract_strided_slice %get3A_21 {offsets = [9], sizes = [1], strides = [1]} : vector<16xi32> to vector<1xi32>
      %squeeze3A_200 = vector.extract %slice3A_199[0] : i32 from vector<1xi32>
      %mul3A_201 = arith.constant 64 : i32
      %mul3A_202 = arith.muli %scan3A_14, %mul3A_201 : i32
      %add3A_203 = arith.constant 0 : i32
      %add3A_204 = arith.addi %mul3A_202, %add3A_203 : i32
      %add3A_205 = arith.constant 9 : i32
      %add3A_206 = arith.addi %add3A_204, %add3A_205 : i32
      %dma_start3A_207 = arith.constant 0 : i32
      %dma_start3A_208 = tpu.memref_slice %arg6[%add3A_206, %dma_start3A_207] : memref<512x64xf32, #tpu.memory_space<vmem>> -> memref<1x64xf32, #tpu.memory_space<vmem>>
      %dma_start3A_209 = tpu.memref_squeeze %dma_start3A_208 : memref<1x64xf32, #tpu.memory_space<vmem>> -> memref<64xf32, #tpu.memory_space<vmem>>
      %dma_start3A_210 = arith.constant 0 : i32
      %dma_start3A_211 = tpu.memref_slice %arg2[%squeeze3A_200, %dma_start3A_210] : memref<1000001x64xf32, #tpu.memory_space<hbm>> -> memref<1x64xf32, #tpu.memory_space<hbm>>
      %dma_start3A_212 = tpu.memref_squeeze %dma_start3A_211 : memref<1x64xf32, #tpu.memory_space<hbm>> -> memref<64xf32, #tpu.memory_space<hbm>>
      %dma_start3A_213 = arith.constant 0 : i32
      %dma_start3A_214 = tpu.memref_slice %arg6[%add3A_206, %dma_start3A_213] : memref<512x64xf32, #tpu.memory_space<vmem>> -> memref<1x64xf32, #tpu.memory_space<vmem>>
      %dma_start3A_215 = tpu.memref_squeeze %dma_start3A_214 : memref<1x64xf32, #tpu.memory_space<vmem>> -> memref<64xf32, #tpu.memory_space<vmem>>
      %dma_start3A_216 = arith.constant 0 : i32
      %dma_start3A_217 = tpu.memref_slice %arg2[%squeeze3A_200, %dma_start3A_216] : memref<1000001x64xf32, #tpu.memory_space<hbm>> -> memref<1x64xf32, #tpu.memory_space<hbm>>
      %dma_start3A_218 = tpu.memref_squeeze %dma_start3A_217 : memref<1x64xf32, #tpu.memory_space<hbm>> -> memref<64xf32, #tpu.memory_space<hbm>>
      tpu.enqueue_dma source(%dma_start3A_218 : memref<64xf32, #tpu.memory_space<hbm>>) target(%dma_start3A_215 : memref<64xf32, #tpu.memory_space<vmem>>) target_semaphore(%arg7 : memref<!tpu.dma_semaphore, #tpu.memory_space<semaphore_mem>>)
      %slice3A_219 = vector.extract_strided_slice %get3A_21 {offsets = [10], sizes = [1], strides = [1]} : vector<16xi32> to vector<1xi32>
      %squeeze3A_220 = vector.extract %slice3A_219[0] : i32 from vector<1xi32>
      %mul3A_221 = arith.constant 64 : i32
      %mul3A_222 = arith.muli %scan3A_14, %mul3A_221 : i32
      %add3A_223 = arith.constant 0 : i32
      %add3A_224 = arith.addi %mul3A_222, %add3A_223 : i32
      %add3A_225 = arith.constant 10 : i32
      %add3A_226 = arith.addi %add3A_224, %add3A_225 : i32
      %dma_start3A_227 = arith.constant 0 : i32
      %dma_start3A_228 = tpu.memref_slice %arg6[%add3A_226, %dma_start3A_227] : memref<512x64xf32, #tpu.memory_space<vmem>> -> memref<1x64xf32, #tpu.memory_space<vmem>>
      %dma_start3A_229 = tpu.memref_squeeze %dma_start3A_228 : memref<1x64xf32, #tpu.memory_space<vmem>> -> memref<64xf32, #tpu.memory_space<vmem>>
      %dma_start3A_230 = arith.constant 0 : i32
      %dma_start3A_231 = tpu.memref_slice %arg2[%squeeze3A_220, %dma_start3A_230] : memref<1000001x64xf32, #tpu.memory_space<hbm>> -> memref<1x64xf32, #tpu.memory_space<hbm>>
      %dma_start3A_232 = tpu.memref_squeeze %dma_start3A_231 : memref<1x64xf32, #tpu.memory_space<hbm>> -> memref<64xf32, #tpu.memory_space<hbm>>
      %dma_start3A_233 = arith.constant 0 : i32
      %dma_start3A_234 = tpu.memref_slice %arg6[%add3A_226, %dma_start3A_233] : memref<512x64xf32, #tpu.memory_space<vmem>> -> memref<1x64xf32, #tpu.memory_space<vmem>>
      %dma_start3A_235 = tpu.memref_squeeze %dma_start3A_234 : memref<1x64xf32, #tpu.memory_space<vmem>> -> memref<64xf32, #tpu.memory_space<vmem>>
      %dma_start3A_236 = arith.constant 0 : i32
      %dma_start3A_237 = tpu.memref_slice %arg2[%squeeze3A_220, %dma_start3A_236] : memref<1000001x64xf32, #tpu.memory_space<hbm>> -> memref<1x64xf32, #tpu.memory_space<hbm>>
      %dma_start3A_238 = tpu.memref_squeeze %dma_start3A_237 : memref<1x64xf32, #tpu.memory_space<hbm>> -> memref<64xf32, #tpu.memory_space<hbm>>
      tpu.enqueue_dma source(%dma_start3A_238 : memref<64xf32, #tpu.memory_space<hbm>>) target(%dma_start3A_235 : memref<64xf32, #tpu.memory_space<vmem>>) target_semaphore(%arg7 : memref<!tpu.dma_semaphore, #tpu.memory_space<semaphore_mem>>)
      %slice3A_239 = vector.extract_strided_slice %get3A_21 {offsets = [11], sizes = [1], strides = [1]} : vector<16xi32> to vector<1xi32>
      %squeeze3A_240 = vector.extract %slice3A_239[0] : i32 from vector<1xi32>
      %mul3A_241 = arith.constant 64 : i32
      %mul3A_242 = arith.muli %scan3A_14, %mul3A_241 : i32
      %add3A_243 = arith.constant 0 : i32
      %add3A_244 = arith.addi %mul3A_242, %add3A_243 : i32
      %add3A_245 = arith.constant 11 : i32
      %add3A_246 = arith.addi %add3A_244, %add3A_245 : i32
      %dma_start3A_247 = arith.constant 0 : i32
      %dma_start3A_248 = tpu.memref_slice %arg6[%add3A_246, %dma_start3A_247] : memref<512x64xf32, #tpu.memory_space<vmem>> -> memref<1x64xf32, #tpu.memory_space<vmem>>
      %dma_start3A_249 = tpu.memref_squeeze %dma_start3A_248 : memref<1x64xf32, #tpu.memory_space<vmem>> -> memref<64xf32, #tpu.memory_space<vmem>>
      %dma_start3A_250 = arith.constant 0 : i32
      %dma_start3A_251 = tpu.memref_slice %arg2[%squeeze3A_240, %dma_start3A_250] : memref<1000001x64xf32, #tpu.memory_space<hbm>> -> memref<1x64xf32, #tpu.memory_space<hbm>>
      %dma_start3A_252 = tpu.memref_squeeze %dma_start3A_251 : memref<1x64xf32, #tpu.memory_space<hbm>> -> memref<64xf32, #tpu.memory_space<hbm>>
      %dma_start3A_253 = arith.constant 0 : i32
      %dma_start3A_254 = tpu.memref_slice %arg6[%add3A_246, %dma_start3A_253] : memref<512x64xf32, #tpu.memory_space<vmem>> -> memref<1x64xf32, #tpu.memory_space<vmem>>
      %dma_start3A_255 = tpu.memref_squeeze %dma_start3A_254 : memref<1x64xf32, #tpu.memory_space<vmem>> -> memref<64xf32, #tpu.memory_space<vmem>>
      %dma_start3A_256 = arith.constant 0 : i32
      %dma_start3A_257 = tpu.memref_slice %arg2[%squeeze3A_240, %dma_start3A_256] : memref<1000001x64xf32, #tpu.memory_space<hbm>> -> memref<1x64xf32, #tpu.memory_space<hbm>>
      %dma_start3A_258 = tpu.memref_squeeze %dma_start3A_257 : memref<1x64xf32, #tpu.memory_space<hbm>> -> memref<64xf32, #tpu.memory_space<hbm>>
      tpu.enqueue_dma source(%dma_start3A_258 : memref<64xf32, #tpu.memory_space<hbm>>) target(%dma_start3A_255 : memref<64xf32, #tpu.memory_space<vmem>>) target_semaphore(%arg7 : memref<!tpu.dma_semaphore, #tpu.memory_space<semaphore_mem>>)
      %slice3A_259 = vector.extract_strided_slice %get3A_21 {offsets = [12], sizes = [1], strides = [1]} : vector<16xi32> to vector<1xi32>
      %squeeze3A_260 = vector.extract %slice3A_259[0] : i32 from vector<1xi32>
      %mul3A_261 = arith.constant 64 : i32
      %mul3A_262 = arith.muli %scan3A_14, %mul3A_261 : i32
      %add3A_263 = arith.constant 0 : i32
      %add3A_264 = arith.addi %mul3A_262, %add3A_263 : i32
      %add3A_265 = arith.constant 12 : i32
      %add3A_266 = arith.addi %add3A_264, %add3A_265 : i32
      %dma_start3A_267 = arith.constant 0 : i32
      %dma_start3A_268 = tpu.memref_slice %arg6[%add3A_266, %dma_start3A_267] : memref<512x64xf32, #tpu.memory_space<vmem>> -> memref<1x64xf32, #tpu.memory_space<vmem>>
      %dma_start3A_269 = tpu.memref_squeeze %dma_start3A_268 : memref<1x64xf32, #tpu.memory_space<vmem>> -> memref<64xf32, #tpu.memory_space<vmem>>
      %dma_start3A_270 = arith.constant 0 : i32
      %dma_start3A_271 = tpu.memref_slice %arg2[%squeeze3A_260, %dma_start3A_270] : memref<1000001x64xf32, #tpu.memory_space<hbm>> -> memref<1x64xf32, #tpu.memory_space<hbm>>
      %dma_start3A_272 = tpu.memref_squeeze %dma_start3A_271 : memref<1x64xf32, #tpu.memory_space<hbm>> -> memref<64xf32, #tpu.memory_space<hbm>>
      %dma_start3A_273 = arith.constant 0 : i32
      %dma_start3A_274 = tpu.memref_slice %arg6[%add3A_266, %dma_start3A_273] : memref<512x64xf32, #tpu.memory_space<vmem>> -> memref<1x64xf32, #tpu.memory_space<vmem>>
      %dma_start3A_275 = tpu.memref_squeeze %dma_start3A_274 : memref<1x64xf32, #tpu.memory_space<vmem>> -> memref<64xf32, #tpu.memory_space<vmem>>
      %dma_start3A_276 = arith.constant 0 : i32
      %dma_start3A_277 = tpu.memref_slice %arg2[%squeeze3A_260, %dma_start3A_276] : memref<1000001x64xf32, #tpu.memory_space<hbm>> -> memref<1x64xf32, #tpu.memory_space<hbm>>
      %dma_start3A_278 = tpu.memref_squeeze %dma_start3A_277 : memref<1x64xf32, #tpu.memory_space<hbm>> -> memref<64xf32, #tpu.memory_space<hbm>>
      tpu.enqueue_dma source(%dma_start3A_278 : memref<64xf32, #tpu.memory_space<hbm>>) target(%dma_start3A_275 : memref<64xf32, #tpu.memory_space<vmem>>) target_semaphore(%arg7 : memref<!tpu.dma_semaphore, #tpu.memory_space<semaphore_mem>>)
      %slice3A_279 = vector.extract_strided_slice %get3A_21 {offsets = [13], sizes = [1], strides = [1]} : vector<16xi32> to vector<1xi32>
      %squeeze3A_280 = vector.extract %slice3A_279[0] : i32 from vector<1xi32>
      %mul3A_281 = arith.constant 64 : i32
      %mul3A_282 = arith.muli %scan3A_14, %mul3A_281 : i32
      %add3A_283 = arith.constant 0 : i32
      %add3A_284 = arith.addi %mul3A_282, %add3A_283 : i32
      %add3A_285 = arith.constant 13 : i32
      %add3A_286 = arith.addi %add3A_284, %add3A_285 : i32
      %dma_start3A_287 = arith.constant 0 : i32
      %dma_start3A_288 = tpu.memref_slice %arg6[%add3A_286, %dma_start3A_287] : memref<512x64xf32, #tpu.memory_space<vmem>> -> memref<1x64xf32, #tpu.memory_space<vmem>>
      %dma_start3A_289 = tpu.memref_squeeze %dma_start3A_288 : memref<1x64xf32, #tpu.memory_space<vmem>> -> memref<64xf32, #tpu.memory_space<vmem>>
      %dma_start3A_290 = arith.constant 0 : i32
      %dma_start3A_291 = tpu.memref_slice %arg2[%squeeze3A_280, %dma_start3A_290] : memref<1000001x64xf32, #tpu.memory_space<hbm>> -> memref<1x64xf32, #tpu.memory_space<hbm>>
      %dma_start3A_292 = tpu.memref_squeeze %dma_start3A_291 : memref<1x64xf32, #tpu.memory_space<hbm>> -> memref<64xf32, #tpu.memory_space<hbm>>
      %dma_start3A_293 = arith.constant 0 : i32
      %dma_start3A_294 = tpu.memref_slice %arg6[%add3A_286, %dma_start3A_293] : memref<512x64xf32, #tpu.memory_space<vmem>> -> memref<1x64xf32, #tpu.memory_space<vmem>>
      %dma_start3A_295 = tpu.memref_squeeze %dma_start3A_294 : memref<1x64xf32, #tpu.memory_space<vmem>> -> memref<64xf32, #tpu.memory_space<vmem>>
      %dma_start3A_296 = arith.constant 0 : i32
      %dma_start3A_297 = tpu.memref_slice %arg2[%squeeze3A_280, %dma_start3A_296] : memref<1000001x64xf32, #tpu.memory_space<hbm>> -> memref<1x64xf32, #tpu.memory_space<hbm>>
      %dma_start3A_298 = tpu.memref_squeeze %dma_start3A_297 : memref<1x64xf32, #tpu.memory_space<hbm>> -> memref<64xf32, #tpu.memory_space<hbm>>
      tpu.enqueue_dma source(%dma_start3A_298 : memref<64xf32, #tpu.memory_space<hbm>>) target(%dma_start3A_295 : memref<64xf32, #tpu.memory_space<vmem>>) target_semaphore(%arg7 : memref<!tpu.dma_semaphore, #tpu.memory_space<semaphore_mem>>)
      %slice3A_299 = vector.extract_strided_slice %get3A_21 {offsets = [14], sizes = [1], strides = [1]} : vector<16xi32> to vector<1xi32>
      %squeeze3A_300 = vector.extract %slice3A_299[0] : i32 from vector<1xi32>
      %mul3A_301 = arith.constant 64 : i32
      %mul3A_302 = arith.muli %scan3A_14, %mul3A_301 : i32
      %add3A_303 = arith.constant 0 : i32
      %add3A_304 = arith.addi %mul3A_302, %add3A_303 : i32
      %add3A_305 = arith.constant 14 : i32
      %add3A_306 = arith.addi %add3A_304, %add3A_305 : i32
      %dma_start3A_307 = arith.constant 0 : i32
      %dma_start3A_308 = tpu.memref_slice %arg6[%add3A_306, %dma_start3A_307] : memref<512x64xf32, #tpu.memory_space<vmem>> -> memref<1x64xf32, #tpu.memory_space<vmem>>
      %dma_start3A_309 = tpu.memref_squeeze %dma_start3A_308 : memref<1x64xf32, #tpu.memory_space<vmem>> -> memref<64xf32, #tpu.memory_space<vmem>>
      %dma_start3A_310 = arith.constant 0 : i32
      %dma_start3A_311 = tpu.memref_slice %arg2[%squeeze3A_300, %dma_start3A_310] : memref<1000001x64xf32, #tpu.memory_space<hbm>> -> memref<1x64xf32, #tpu.memory_space<hbm>>
      %dma_start3A_312 = tpu.memref_squeeze %dma_start3A_311 : memref<1x64xf32, #tpu.memory_space<hbm>> -> memref<64xf32, #tpu.memory_space<hbm>>
      %dma_start3A_313 = arith.constant 0 : i32
      %dma_start3A_314 = tpu.memref_slice %arg6[%add3A_306, %dma_start3A_313] : memref<512x64xf32, #tpu.memory_space<vmem>> -> memref<1x64xf32, #tpu.memory_space<vmem>>
      %dma_start3A_315 = tpu.memref_squeeze %dma_start3A_314 : memref<1x64xf32, #tpu.memory_space<vmem>> -> memref<64xf32, #tpu.memory_space<vmem>>
      %dma_start3A_316 = arith.constant 0 : i32
      %dma_start3A_317 = tpu.memref_slice %arg2[%squeeze3A_300, %dma_start3A_316] : memref<1000001x64xf32, #tpu.memory_space<hbm>> -> memref<1x64xf32, #tpu.memory_space<hbm>>
      %dma_start3A_318 = tpu.memref_squeeze %dma_start3A_317 : memref<1x64xf32, #tpu.memory_space<hbm>> -> memref<64xf32, #tpu.memory_space<hbm>>
      tpu.enqueue_dma source(%dma_start3A_318 : memref<64xf32, #tpu.memory_space<hbm>>) target(%dma_start3A_315 : memref<64xf32, #tpu.memory_space<vmem>>) target_semaphore(%arg7 : memref<!tpu.dma_semaphore, #tpu.memory_space<semaphore_mem>>)
      %slice3A_319 = vector.extract_strided_slice %get3A_21 {offsets = [15], sizes = [1], strides = [1]} : vector<16xi32> to vector<1xi32>
      %squeeze3A_320 = vector.extract %slice3A_319[0] : i32 from vector<1xi32>
      %mul3A_321 = arith.constant 64 : i32
      %mul3A_322 = arith.muli %scan3A_14, %mul3A_321 : i32
      %add3A_323 = arith.constant 0 : i32
      %add3A_324 = arith.addi %mul3A_322, %add3A_323 : i32
      %add3A_325 = arith.constant 15 : i32
      %add3A_326 = arith.addi %add3A_324, %add3A_325 : i32
      %dma_start3A_327 = arith.constant 0 : i32
      %dma_start3A_328 = tpu.memref_slice %arg6[%add3A_326, %dma_start3A_327] : memref<512x64xf32, #tpu.memory_space<vmem>> -> memref<1x64xf32, #tpu.memory_space<vmem>>
      %dma_start3A_329 = tpu.memref_squeeze %dma_start3A_328 : memref<1x64xf32, #tpu.memory_space<vmem>> -> memref<64xf32, #tpu.memory_space<vmem>>
      %dma_start3A_330 = arith.constant 0 : i32
      %dma_start3A_331 = tpu.memref_slice %arg2[%squeeze3A_320, %dma_start3A_330] : memref<1000001x64xf32, #tpu.memory_space<hbm>> -> memref<1x64xf32, #tpu.memory_space<hbm>>
      %dma_start3A_332 = tpu.memref_squeeze %dma_start3A_331 : memref<1x64xf32, #tpu.memory_space<hbm>> -> memref<64xf32, #tpu.memory_space<hbm>>
      %dma_start3A_333 = arith.constant 0 : i32
      %dma_start3A_334 = tpu.memref_slice %arg6[%add3A_326, %dma_start3A_333] : memref<512x64xf32, #tpu.memory_space<vmem>> -> memref<1x64xf32, #tpu.memory_space<vmem>>
      %dma_start3A_335 = tpu.memref_squeeze %dma_start3A_334 : memref<1x64xf32, #tpu.memory_space<vmem>> -> memref<64xf32, #tpu.memory_space<vmem>>
      %dma_start3A_336 = arith.constant 0 : i32
      %dma_start3A_337 = tpu.memref_slice %arg2[%squeeze3A_320, %dma_start3A_336] : memref<1000001x64xf32, #tpu.memory_space<hbm>> -> memref<1x64xf32, #tpu.memory_space<hbm>>
      %dma_start3A_338 = tpu.memref_squeeze %dma_start3A_337 : memref<1x64xf32, #tpu.memory_space<hbm>> -> memref<64xf32, #tpu.memory_space<hbm>>
      tpu.enqueue_dma source(%dma_start3A_338 : memref<64xf32, #tpu.memory_space<hbm>>) target(%dma_start3A_335 : memref<64xf32, #tpu.memory_space<vmem>>) target_semaphore(%arg7 : memref<!tpu.dma_semaphore, #tpu.memory_space<semaphore_mem>>)
      %mul3A_339 = arith.constant 64 : i32
      %mul3A_340 = arith.muli %scan3A_14, %mul3A_339 : i32
      %add3A_341 = arith.constant 16 : i32
      %add3A_342 = arith.addi %mul3A_340, %add3A_341 : i32
      %get3A_343 = arith.index_cast %add3A_342 : i32 to index
      %get3A_344 = tpu.vector_load %arg5[%get3A_343] {strides = array<i32>} : memref<512xi32, #tpu.memory_space<vmem>>, vector<16xi32>,
      %get3A_345 = vector.shape_cast %get3A_344 : vector<16xi32> to vector<16xi32>
      %slice3A_346 = vector.extract_strided_slice %get3A_345 {offsets = [0], sizes = [1], strides = [1]} : vector<16xi32> to vector<1xi32>
      %squeeze3A_347 = vector.extract %slice3A_346[0] : i32 from vector<1xi32>
      %mul3A_348 = arith.constant 64 : i32
      %mul3A_349 = arith.muli %scan3A_14, %mul3A_348 : i32
      %add3A_350 = arith.constant 16 : i32
      %add3A_351 = arith.addi %mul3A_349, %add3A_350 : i32
      %add3A_352 = arith.constant 0 : i32
      %add3A_353 = arith.addi %add3A_351, %add3A_352 : i32
      %dma_start3A_354 = arith.constant 0 : i32
      %dma_start3A_355 = tpu.memref_slice %arg6[%add3A_353, %dma_start3A_354] : memref<512x64xf32, #tpu.memory_space<vmem>> -> memref<1x64xf32, #tpu.memory_space<vmem>>
      %dma_start3A_356 = tpu.memref_squeeze %dma_start3A_355 : memref<1x64xf32, #tpu.memory_space<vmem>> -> memref<64xf32, #tpu.memory_space<vmem>>
      %dma_start3A_357 = arith.constant 0 : i32
      %dma_start3A_358 = tpu.memref_slice %arg2[%squeeze3A_347, %dma_start3A_357] : memref<1000001x64xf32, #tpu.memory_space<hbm>> -> memref<1x64xf32, #tpu.memory_space<hbm>>
      %dma_start3A_359 = tpu.memref_squeeze %dma_start3A_358 : memref<1x64xf32, #tpu.memory_space<hbm>> -> memref<64xf32, #tpu.memory_space<hbm>>
      %dma_start3A_360 = arith.constant 0 : i32
      %dma_start3A_361 = tpu.memref_slice %arg6[%add3A_353, %dma_start3A_360] : memref<512x64xf32, #tpu.memory_space<vmem>> -> memref<1x64xf32, #tpu.memory_space<vmem>>
      %dma_start3A_362 = tpu.memref_squeeze %dma_start3A_361 : memref<1x64xf32, #tpu.memory_space<vmem>> -> memref<64xf32, #tpu.memory_space<vmem>>
      %dma_start3A_363 = arith.constant 0 : i32
      %dma_start3A_364 = tpu.memref_slice %arg2[%squeeze3A_347, %dma_start3A_363] : memref<1000001x64xf32, #tpu.memory_space<hbm>> -> memref<1x64xf32, #tpu.memory_space<hbm>>
      %dma_start3A_365 = tpu.memref_squeeze %dma_start3A_364 : memref<1x64xf32, #tpu.memory_space<hbm>> -> memref<64xf32, #tpu.memory_space<hbm>>
      tpu.enqueue_dma source(%dma_start3A_365 : memref<64xf32, #tpu.memory_space<hbm>>) target(%dma_start3A_362 : memref<64xf32, #tpu.memory_space<vmem>>) target_semaphore(%arg7 : memref<!tpu.dma_semaphore, #tpu.memory_space<semaphore_mem>>)
      %slice3A_366 = vector.extract_strided_slice %get3A_345 {offsets = [1], sizes = [1], strides = [1]} : vector<16xi32> to vector<1xi32>
      %squeeze3A_367 = vector.extract %slice3A_366[0] : i32 from vector<1xi32>
      %mul3A_368 = arith.constant 64 : i32
      %mul3A_369 = arith.muli %scan3A_14, %mul3A_368 : i32
      %add3A_370 = arith.constant 16 : i32
      %add3A_371 = arith.addi %mul3A_369, %add3A_370 : i32
      %add3A_372 = arith.constant 1 : i32
      %add3A_373 = arith.addi %add3A_371, %add3A_372 : i32
      %dma_start3A_374 = arith.constant 0 : i32
      %dma_start3A_375 = tpu.memref_slice %arg6[%add3A_373, %dma_start3A_374] : memref<512x64xf32, #tpu.memory_space<vmem>> -> memref<1x64xf32, #tpu.memory_space<vmem>>
      %dma_start3A_376 = tpu.memref_squeeze %dma_start3A_375 : memref<1x64xf32, #tpu.memory_space<vmem>> -> memref<64xf32, #tpu.memory_space<vmem>>
      %dma_start3A_377 = arith.constant 0 : i32
      %dma_start3A_378 = tpu.memref_slice %arg2[%squeeze3A_367, %dma_start3A_377] : memref<1000001x64xf32, #tpu.memory_space<hbm>> -> memref<1x64xf32, #tpu.memory_space<hbm>>
      %dma_start3A_379 = tpu.memref_squeeze %dma_start3A_378 : memref<1x64xf32, #tpu.memory_space<hbm>> -> memref<64xf32, #tpu.memory_space<hbm>>
      %dma_start3A_380 = arith.constant 0 : i32
      %dma_start3A_381 = tpu.memref_slice %arg6[%add3A_373, %dma_start3A_380] : memref<512x64xf32, #tpu.memory_space<vmem>> -> memref<1x64xf32, #tpu.memory_space<vmem>>
      %dma_start3A_382 = tpu.memref_squeeze %dma_start3A_381 : memref<1x64xf32, #tpu.memory_space<vmem>> -> memref<64xf32, #tpu.memory_space<vmem>>
      %dma_start3A_383 = arith.constant 0 : i32
      %dma_start3A_384 = tpu.memref_slice %arg2[%squeeze3A_367, %dma_start3A_383] : memref<1000001x64xf32, #tpu.memory_space<hbm>> -> memref<1x64xf32, #tpu.memory_space<hbm>>
      %dma_start3A_385 = tpu.memref_squeeze %dma_start3A_384 : memref<1x64xf32, #tpu.memory_space<hbm>> -> memref<64xf32, #tpu.memory_space<hbm>>
      tpu.enqueue_dma source(%dma_start3A_385 : memref<64xf32, #tpu.memory_space<hbm>>) target(%dma_start3A_382 : memref<64xf32, #tpu.memory_space<vmem>>) target_semaphore(%arg7 : memref<!tpu.dma_semaphore, #tpu.memory_space<semaphore_mem>>)
      %slice3A_386 = vector.extract_strided_slice %get3A_345 {offsets = [2], sizes = [1], strides = [1]} : vector<16xi32> to vector<1xi32>
      %squeeze3A_387 = vector.extract %slice3A_386[0] : i32 from vector<1xi32>
      %mul3A_388 = arith.constant 64 : i32
      %mul3A_389 = arith.muli %scan3A_14, %mul3A_388 : i32
      %add3A_390 = arith.constant 16 : i32
      %add3A_391 = arith.addi %mul3A_389, %add3A_390 : i32
      %add3A_392 = arith.constant 2 : i32
      %add3A_393 = arith.addi %add3A_391, %add3A_392 : i32
      %dma_start3A_394 = arith.constant 0 : i32
      %dma_start3A_395 = tpu.memref_slice %arg6[%add3A_393, %dma_start3A_394] : memref<512x64xf32, #tpu.memory_space<vmem>> -> memref<1x64xf32, #tpu.memory_space<vmem>>
      %dma_start3A_396 = tpu.memref_squeeze %dma_start3A_395 : memref<1x64xf32, #tpu.memory_space<vmem>> -> memref<64xf32, #tpu.memory_space<vmem>>
      %dma_start3A_397 = arith.constant 0 : i32
      %dma_start3A_398 = tpu.memref_slice %arg2[%squeeze3A_387, %dma_start3A_397] : memref<1000001x64xf32, #tpu.memory_space<hbm>> -> memref<1x64xf32, #tpu.memory_space<hbm>>
      %dma_start3A_399 = tpu.memref_squeeze %dma_start3A_398 : memref<1x64xf32, #tpu.memory_space<hbm>> -> memref<64xf32, #tpu.memory_space<hbm>>
      %dma_start3A_400 = arith.constant 0 : i32
      %dma_start3A_401 = tpu.memref_slice %arg6[%add3A_393, %dma_start3A_400] : memref<512x64xf32, #tpu.memory_space<vmem>> -> memref<1x64xf32, #tpu.memory_space<vmem>>
      %dma_start3A_402 = tpu.memref_squeeze %dma_start3A_401 : memref<1x64xf32, #tpu.memory_space<vmem>> -> memref<64xf32, #tpu.memory_space<vmem>>
      %dma_start3A_403 = arith.constant 0 : i32
      %dma_start3A_404 = tpu.memref_slice %arg2[%squeeze3A_387, %dma_start3A_403] : memref<1000001x64xf32, #tpu.memory_space<hbm>> -> memref<1x64xf32, #tpu.memory_space<hbm>>
      %dma_start3A_405 = tpu.memref_squeeze %dma_start3A_404 : memref<1x64xf32, #tpu.memory_space<hbm>> -> memref<64xf32, #tpu.memory_space<hbm>>
      tpu.enqueue_dma source(%dma_start3A_405 : memref<64xf32, #tpu.memory_space<hbm>>) target(%dma_start3A_402 : memref<64xf32, #tpu.memory_space<vmem>>) target_semaphore(%arg7 : memref<!tpu.dma_semaphore, #tpu.memory_space<semaphore_mem>>)
      %slice3A_406 = vector.extract_strided_slice %get3A_345 {offsets = [3], sizes = [1], strides = [1]} : vector<16xi32> to vector<1xi32>
      %squeeze3A_407 = vector.extract %slice3A_406[0] : i32 from vector<1xi32>
      %mul3A_408 = arith.constant 64 : i32
      %mul3A_409 = arith.muli %scan3A_14, %mul3A_408 : i32
      %add3A_410 = arith.constant 16 : i32
      %add3A_411 = arith.addi %mul3A_409, %add3A_410 : i32
      %add3A_412 = arith.constant 3 : i32
      %add3A_413 = arith.addi %add3A_411, %add3A_412 : i32
      %dma_start3A_414 = arith.constant 0 : i32
      %dma_start3A_415 = tpu.memref_slice %arg6[%add3A_413, %dma_start3A_414] : memref<512x64xf32, #tpu.memory_space<vmem>> -> memref<1x64xf32, #tpu.memory_space<vmem>>
      %dma_start3A_416 = tpu.memref_squeeze %dma_start3A_415 : memref<1x64xf32, #tpu.memory_space<vmem>> -> memref<64xf32, #tpu.memory_space<vmem>>
      %dma_start3A_417 = arith.constant 0 : i32
      %dma_start3A_418 = tpu.memref_slice %arg2[%squeeze3A_407, %dma_start3A_417] : memref<1000001x64xf32, #tpu.memory_space<hbm>> -> memref<1x64xf32, #tpu.memory_space<hbm>>
      %dma_start3A_419 = tpu.memref_squeeze %dma_start3A_418 : memref<1x64xf32, #tpu.memory_space<hbm>> -> memref<64xf32, #tpu.memory_space<hbm>>
      %dma_start3A_420 = arith.constant 0 : i32
      %dma_start3A_421 = tpu.memref_slice %arg6[%add3A_413, %dma_start3A_420] : memref<512x64xf32, #tpu.memory_space<vmem>> -> memref<1x64xf32, #tpu.memory_space<vmem>>
      %dma_start3A_422 = tpu.memref_squeeze %dma_start3A_421 : memref<1x64xf32, #tpu.memory_space<vmem>> -> memref<64xf32, #tpu.memory_space<vmem>>
      %dma_start3A_423 = arith.constant 0 : i32
      %dma_start3A_424 = tpu.memref_slice %arg2[%squeeze3A_407, %dma_start3A_423] : memref<1000001x64xf32, #tpu.memory_space<hbm>> -> memref<1x64xf32, #tpu.memory_space<hbm>>
      %dma_start3A_425 = tpu.memref_squeeze %dma_start3A_424 : memref<1x64xf32, #tpu.memory_space<hbm>> -> memref<64xf32, #tpu.memory_space<hbm>>
      tpu.enqueue_dma source(%dma_start3A_425 : memref<64xf32, #tpu.memory_space<hbm>>) target(%dma_start3A_422 : memref<64xf32, #tpu.memory_space<vmem>>) target_semaphore(%arg7 : memref<!tpu.dma_semaphore, #tpu.memory_space<semaphore_mem>>)
      %slice3A_426 = vector.extract_strided_slice %get3A_345 {offsets = [4], sizes = [1], strides = [1]} : vector<16xi32> to vector<1xi32>
      %squeeze3A_427 = vector.extract %slice3A_426[0] : i32 from vector<1xi32>
      %mul3A_428 = arith.constant 64 : i32
      %mul3A_429 = arith.muli %scan3A_14, %mul3A_428 : i32
      %add3A_430 = arith.constant 16 : i32
      %add3A_431 = arith.addi %mul3A_429, %add3A_430 : i32
      %add3A_432 = arith.constant 4 : i32
      %add3A_433 = arith.addi %add3A_431, %add3A_432 : i32
      %dma_start3A_434 = arith.constant 0 : i32
      %dma_start3A_435 = tpu.memref_slice %arg6[%add3A_433, %dma_start3A_434] : memref<512x64xf32, #tpu.memory_space<vmem>> -> memref<1x64xf32, #tpu.memory_space<vmem>>
      %dma_start3A_436 = tpu.memref_squeeze %dma_start3A_435 : memref<1x64xf32, #tpu.memory_space<vmem>> -> memref<64xf32, #tpu.memory_space<vmem>>
      %dma_start3A_437 = arith.constant 0 : i32
      %dma_start3A_438 = tpu.memref_slice %arg2[%squeeze3A_427, %dma_start3A_437] : memref<1000001x64xf32, #tpu.memory_space<hbm>> -> memref<1x64xf32, #tpu.memory_space<hbm>>
      %dma_start3A_439 = tpu.memref_squeeze %dma_start3A_438 : memref<1x64xf32, #tpu.memory_space<hbm>> -> memref<64xf32, #tpu.memory_space<hbm>>
      %dma_start3A_440 = arith.constant 0 : i32
      %dma_start3A_441 = tpu.memref_slice %arg6[%add3A_433, %dma_start3A_440] : memref<512x64xf32, #tpu.memory_space<vmem>> -> memref<1x64xf32, #tpu.memory_space<vmem>>
      %dma_start3A_442 = tpu.memref_squeeze %dma_start3A_441 : memref<1x64xf32, #tpu.memory_space<vmem>> -> memref<64xf32, #tpu.memory_space<vmem>>
      %dma_start3A_443 = arith.constant 0 : i32
      %dma_start3A_444 = tpu.memref_slice %arg2[%squeeze3A_427, %dma_start3A_443] : memref<1000001x64xf32, #tpu.memory_space<hbm>> -> memref<1x64xf32, #tpu.memory_space<hbm>>
      %dma_start3A_445 = tpu.memref_squeeze %dma_start3A_444 : memref<1x64xf32, #tpu.memory_space<hbm>> -> memref<64xf32, #tpu.memory_space<hbm>>
      tpu.enqueue_dma source(%dma_start3A_445 : memref<64xf32, #tpu.memory_space<hbm>>) target(%dma_start3A_442 : memref<64xf32, #tpu.memory_space<vmem>>) target_semaphore(%arg7 : memref<!tpu.dma_semaphore, #tpu.memory_space<semaphore_mem>>)
      %slice3A_446 = vector.extract_strided_slice %get3A_345 {offsets = [5], sizes = [1], strides = [1]} : vector<16xi32> to vector<1xi32>
      %squeeze3A_447 = vector.extract %slice3A_446[0] : i32 from vector<1xi32>
      %mul3A_448 = arith.constant 64 : i32
      %mul3A_449 = arith.muli %scan3A_14, %mul3A_448 : i32
      %add3A_450 = arith.constant 16 : i32
      %add3A_451 = arith.addi %mul3A_449, %add3A_450 : i32
      %add3A_452 = arith.constant 5 : i32
      %add3A_453 = arith.addi %add3A_451, %add3A_452 : i32
      %dma_start3A_454 = arith.constant 0 : i32
      %dma_start3A_455 = tpu.memref_slice %arg6[%add3A_453, %dma_start3A_454] : memref<512x64xf32, #tpu.memory_space<vmem>> -> memref<1x64xf32, #tpu.memory_space<vmem>>
      %dma_start3A_456 = tpu.memref_squeeze %dma_start3A_455 : memref<1x64xf32, #tpu.memory_space<vmem>> -> memref<64xf32, #tpu.memory_space<vmem>>
      %dma_start3A_457 = arith.constant 0 : i32
      %dma_start3A_458 = tpu.memref_slice %arg2[%squeeze3A_447, %dma_start3A_457] : memref<1000001x64xf32, #tpu.memory_space<hbm>> -> memref<1x64xf32, #tpu.memory_space<hbm>>
      %dma_start3A_459 = tpu.memref_squeeze %dma_start3A_458 : memref<1x64xf32, #tpu.memory_space<hbm>> -> memref<64xf32, #tpu.memory_space<hbm>>
      %dma_start3A_460 = arith.constant 0 : i32
      %dma_start3A_461 = tpu.memref_slice %arg6[%add3A_453, %dma_start3A_460] : memref<512x64xf32, #tpu.memory_space<vmem>> -> memref<1x64xf32, #tpu.memory_space<vmem>>
      %dma_start3A_462 = tpu.memref_squeeze %dma_start3A_461 : memref<1x64xf32, #tpu.memory_space<vmem>> -> memref<64xf32, #tpu.memory_space<vmem>>
      %dma_start3A_463 = arith.constant 0 : i32
      %dma_start3A_464 = tpu.memref_slice %arg2[%squeeze3A_447, %dma_start3A_463] : memref<1000001x64xf32, #tpu.memory_space<hbm>> -> memref<1x64xf32, #tpu.memory_space<hbm>>
      %dma_start3A_465 = tpu.memref_squeeze %dma_start3A_464 : memref<1x64xf32, #tpu.memory_space<hbm>> -> memref<64xf32, #tpu.memory_space<hbm>>
      tpu.enqueue_dma source(%dma_start3A_465 : memref<64xf32, #tpu.memory_space<hbm>>) target(%dma_start3A_462 : memref<64xf32, #tpu.memory_space<vmem>>) target_semaphore(%arg7 : memref<!tpu.dma_semaphore, #tpu.memory_space<semaphore_mem>>)
      %slice3A_466 = vector.extract_strided_slice %get3A_345 {offsets = [6], sizes = [1], strides = [1]} : vector<16xi32> to vector<1xi32>
      %squeeze3A_467 = vector.extract %slice3A_466[0] : i32 from vector<1xi32>
      %mul3A_468 = arith.constant 64 : i32
      %mul3A_469 = arith.muli %scan3A_14, %mul3A_468 : i32
      %add3A_470 = arith.constant 16 : i32
      %add3A_471 = arith.addi %mul3A_469, %add3A_470 : i32
      %add3A_472 = arith.constant 6 : i32
      %add3A_473 = arith.addi %add3A_471, %add3A_472 : i32
      %dma_start3A_474 = arith.constant 0 : i32
      %dma_start3A_475 = tpu.memref_slice %arg6[%add3A_473, %dma_start3A_474] : memref<512x64xf32, #tpu.memory_space<vmem>> -> memref<1x64xf32, #tpu.memory_space<vmem>>
      %dma_start3A_476 = tpu.memref_squeeze %dma_start3A_475 : memref<1x64xf32, #tpu.memory_space<vmem>> -> memref<64xf32, #tpu.memory_space<vmem>>
      %dma_start3A_477 = arith.constant 0 : i32
      %dma_start3A_478 = tpu.memref_slice %arg2[%squeeze3A_467, %dma_start3A_477] : memref<1000001x64xf32, #tpu.memory_space<hbm>> -> memref<1x64xf32, #tpu.memory_space<hbm>>
      %dma_start3A_479 = tpu.memref_squeeze %dma_start3A_478 : memref<1x64xf32, #tpu.memory_space<hbm>> -> memref<64xf32, #tpu.memory_space<hbm>>
      %dma_start3A_480 = arith.constant 0 : i32
      %dma_start3A_481 = tpu.memref_slice %arg6[%add3A_473, %dma_start3A_480] : memref<512x64xf32, #tpu.memory_space<vmem>> -> memref<1x64xf32, #tpu.memory_space<vmem>>
      %dma_start3A_482 = tpu.memref_squeeze %dma_start3A_481 : memref<1x64xf32, #tpu.memory_space<vmem>> -> memref<64xf32, #tpu.memory_space<vmem>>
      %dma_start3A_483 = arith.constant 0 : i32
      %dma_start3A_484 = tpu.memref_slice %arg2[%squeeze3A_467, %dma_start3A_483] : memref<1000001x64xf32, #tpu.memory_space<hbm>> -> memref<1x64xf32, #tpu.memory_space<hbm>>
      %dma_start3A_485 = tpu.memref_squeeze %dma_start3A_484 : memref<1x64xf32, #tpu.memory_space<hbm>> -> memref<64xf32, #tpu.memory_space<hbm>>
      tpu.enqueue_dma source(%dma_start3A_485 : memref<64xf32, #tpu.memory_space<hbm>>) target(%dma_start3A_482 : memref<64xf32, #tpu.memory_space<vmem>>) target_semaphore(%arg7 : memref<!tpu.dma_semaphore, #tpu.memory_space<semaphore_mem>>)
      %slice3A_486 = vector.extract_strided_slice %get3A_345 {offsets = [7], sizes = [1], strides = [1]} : vector<16xi32> to vector<1xi32>
      %squeeze3A_487 = vector.extract %slice3A_486[0] : i32 from vector<1xi32>
      %mul3A_488 = arith.constant 64 : i32
      %mul3A_489 = arith.muli %scan3A_14, %mul3A_488 : i32
      %add3A_490 = arith.constant 16 : i32
      %add3A_491 = arith.addi %mul3A_489, %add3A_490 : i32
      %add3A_492 = arith.constant 7 : i32
      %add3A_493 = arith.addi %add3A_491, %add3A_492 : i32
      %dma_start3A_494 = arith.constant 0 : i32
      %dma_start3A_495 = tpu.memref_slice %arg6[%add3A_493, %dma_start3A_494] : memref<512x64xf32, #tpu.memory_space<vmem>> -> memref<1x64xf32, #tpu.memory_space<vmem>>
      %dma_start3A_496 = tpu.memref_squeeze %dma_start3A_495 : memref<1x64xf32, #tpu.memory_space<vmem>> -> memref<64xf32, #tpu.memory_space<vmem>>
      %dma_start3A_497 = arith.constant 0 : i32
      %dma_start3A_498 = tpu.memref_slice %arg2[%squeeze3A_487, %dma_start3A_497] : memref<1000001x64xf32, #tpu.memory_space<hbm>> -> memref<1x64xf32, #tpu.memory_space<hbm>>
      %dma_start3A_499 = tpu.memref_squeeze %dma_start3A_498 : memref<1x64xf32, #tpu.memory_space<hbm>> -> memref<64xf32, #tpu.memory_space<hbm>>
      %dma_start3A_500 = arith.constant 0 : i32
      %dma_start3A_501 = tpu.memref_slice %arg6[%add3A_493, %dma_start3A_500] : memref<512x64xf32, #tpu.memory_space<vmem>> -> memref<1x64xf32, #tpu.memory_space<vmem>>
      %dma_start3A_502 = tpu.memref_squeeze %dma_start3A_501 : memref<1x64xf32, #tpu.memory_space<vmem>> -> memref<64xf32, #tpu.memory_space<vmem>>
      %dma_start3A_503 = arith.constant 0 : i32
      %dma_start3A_504 = tpu.memref_slice %arg2[%squeeze3A_487, %dma_start3A_503] : memref<1000001x64xf32, #tpu.memory_space<hbm>> -> memref<1x64xf32, #tpu.memory_space<hbm>>
      %dma_start3A_505 = tpu.memref_squeeze %dma_start3A_504 : memref<1x64xf32, #tpu.memory_space<hbm>> -> memref<64xf32, #tpu.memory_space<hbm>>
      tpu.enqueue_dma source(%dma_start3A_505 : memref<64xf32, #tpu.memory_space<hbm>>) target(%dma_start3A_502 : memref<64xf32, #tpu.memory_space<vmem>>) target_semaphore(%arg7 : memref<!tpu.dma_semaphore, #tpu.memory_space<semaphore_mem>>)
      %slice3A_506 = vector.extract_strided_slice %get3A_345 {offsets = [8], sizes = [1], strides = [1]} : vector<16xi32> to vector<1xi32>
      %squeeze3A_507 = vector.extract %slice3A_506[0] : i32 from vector<1xi32>
      %mul3A_508 = arith.constant 64 : i32
      %mul3A_509 = arith.muli %scan3A_14, %mul3A_508 : i32
      %add3A_510 = arith.constant 16 : i32
      %add3A_511 = arith.addi %mul3A_509, %add3A_510 : i32
      %add3A_512 = arith.constant 8 : i32
      %add3A_513 = arith.addi %add3A_511, %add3A_512 : i32
      %dma_start3A_514 = arith.constant 0 : i32
      %dma_start3A_515 = tpu.memref_slice %arg6[%add3A_513, %dma_start3A_514] : memref<512x64xf32, #tpu.memory_space<vmem>> -> memref<1x64xf32, #tpu.memory_space<vmem>>
      %dma_start3A_516 = tpu.memref_squeeze %dma_start3A_515 : memref<1x64xf32, #tpu.memory_space<vmem>> -> memref<64xf32, #tpu.memory_space<vmem>>
      %dma_start3A_517 = arith.constant 0 : i32
      %dma_start3A_518 = tpu.memref_slice %arg2[%squeeze3A_507, %dma_start3A_517] : memref<1000001x64xf32, #tpu.memory_space<hbm>> -> memref<1x64xf32, #tpu.memory_space<hbm>>
      %dma_start3A_519 = tpu.memref_squeeze %dma_start3A_518 : memref<1x64xf32, #tpu.memory_space<hbm>> -> memref<64xf32, #tpu.memory_space<hbm>>
      %dma_start3A_520 = arith.constant 0 : i32
      %dma_start3A_521 = tpu.memref_slice %arg6[%add3A_513, %dma_start3A_520] : memref<512x64xf32, #tpu.memory_space<vmem>> -> memref<1x64xf32, #tpu.memory_space<vmem>>
      %dma_start3A_522 = tpu.memref_squeeze %dma_start3A_521 : memref<1x64xf32, #tpu.memory_space<vmem>> -> memref<64xf32, #tpu.memory_space<vmem>>
      %dma_start3A_523 = arith.constant 0 : i32
      %dma_start3A_524 = tpu.memref_slice %arg2[%squeeze3A_507, %dma_start3A_523] : memref<1000001x64xf32, #tpu.memory_space<hbm>> -> memref<1x64xf32, #tpu.memory_space<hbm>>
      %dma_start3A_525 = tpu.memref_squeeze %dma_start3A_524 : memref<1x64xf32, #tpu.memory_space<hbm>> -> memref<64xf32, #tpu.memory_space<hbm>>
      tpu.enqueue_dma source(%dma_start3A_525 : memref<64xf32, #tpu.memory_space<hbm>>) target(%dma_start3A_522 : memref<64xf32, #tpu.memory_space<vmem>>) target_semaphore(%arg7 : memref<!tpu.dma_semaphore, #tpu.memory_space<semaphore_mem>>)
      %slice3A_526 = vector.extract_strided_slice %get3A_345 {offsets = [9], sizes = [1], strides = [1]} : vector<16xi32> to vector<1xi32>
      %squeeze3A_527 = vector.extract %slice3A_526[0] : i32 from vector<1xi32>
      %mul3A_528 = arith.constant 64 : i32
      %mul3A_529 = arith.muli %scan3A_14, %mul3A_528 : i32
      %add3A_530 = arith.constant 16 : i32
      %add3A_531 = arith.addi %mul3A_529, %add3A_530 : i32
      %add3A_532 = arith.constant 9 : i32
      %add3A_533 = arith.addi %add3A_531, %add3A_532 : i32
      %dma_start3A_534 = arith.constant 0 : i32
      %dma_start3A_535 = tpu.memref_slice %arg6[%add3A_533, %dma_start3A_534] : memref<512x64xf32, #tpu.memory_space<vmem>> -> memref<1x64xf32, #tpu.memory_space<vmem>>
      %dma_start3A_536 = tpu.memref_squeeze %dma_start3A_535 : memref<1x64xf32, #tpu.memory_space<vmem>> -> memref<64xf32, #tpu.memory_space<vmem>>
      %dma_start3A_537 = arith.constant 0 : i32
      %dma_start3A_538 = tpu.memref_slice %arg2[%squeeze3A_527, %dma_start3A_537] : memref<1000001x64xf32, #tpu.memory_space<hbm>> -> memref<1x64xf32, #tpu.memory_space<hbm>>
      %dma_start3A_539 = tpu.memref_squeeze %dma_start3A_538 : memref<1x64xf32, #tpu.memory_space<hbm>> -> memref<64xf32, #tpu.memory_space<hbm>>
      %dma_start3A_540 = arith.constant 0 : i32
      %dma_start3A_541 = tpu.memref_slice %arg6[%add3A_533, %dma_start3A_540] : memref<512x64xf32, #tpu.memory_space<vmem>> -> memref<1x64xf32, #tpu.memory_space<vmem>>
      %dma_start3A_542 = tpu.memref_squeeze %dma_start3A_541 : memref<1x64xf32, #tpu.memory_space<vmem>> -> memref<64xf32, #tpu.memory_space<vmem>>
      %dma_start3A_543 = arith.constant 0 : i32
      %dma_start3A_544 = tpu.memref_slice %arg2[%squeeze3A_527, %dma_start3A_543] : memref<1000001x64xf32, #tpu.memory_space<hbm>> -> memref<1x64xf32, #tpu.memory_space<hbm>>
      %dma_start3A_545 = tpu.memref_squeeze %dma_start3A_544 : memref<1x64xf32, #tpu.memory_space<hbm>> -> memref<64xf32, #tpu.memory_space<hbm>>
      tpu.enqueue_dma source(%dma_start3A_545 : memref<64xf32, #tpu.memory_space<hbm>>) target(%dma_start3A_542 : memref<64xf32, #tpu.memory_space<vmem>>) target_semaphore(%arg7 : memref<!tpu.dma_semaphore, #tpu.memory_space<semaphore_mem>>)
      %slice3A_546 = vector.extract_strided_slice %get3A_345 {offsets = [10], sizes = [1], strides = [1]} : vector<16xi32> to vector<1xi32>
      %squeeze3A_547 = vector.extract %slice3A_546[0] : i32 from vector<1xi32>
      %mul3A_548 = arith.constant 64 : i32
      %mul3A_549 = arith.muli %scan3A_14, %mul3A_548 : i32
      %add3A_550 = arith.constant 16 : i32
      %add3A_551 = arith.addi %mul3A_549, %add3A_550 : i32
      %add3A_552 = arith.constant 10 : i32
      %add3A_553 = arith.addi %add3A_551, %add3A_552 : i32
      %dma_start3A_554 = arith.constant 0 : i32
      %dma_start3A_555 = tpu.memref_slice %arg6[%add3A_553, %dma_start3A_554] : memref<512x64xf32, #tpu.memory_space<vmem>> -> memref<1x64xf32, #tpu.memory_space<vmem>>
      %dma_start3A_556 = tpu.memref_squeeze %dma_start3A_555 : memref<1x64xf32, #tpu.memory_space<vmem>> -> memref<64xf32, #tpu.memory_space<vmem>>
      %dma_start3A_557 = arith.constant 0 : i32
      %dma_start3A_558 = tpu.memref_slice %arg2[%squeeze3A_547, %dma_start3A_557] : memref<1000001x64xf32, #tpu.memory_space<hbm>> -> memref<1x64xf32, #tpu.memory_space<hbm>>
      %dma_start3A_559 = tpu.memref_squeeze %dma_start3A_558 : memref<1x64xf32, #tpu.memory_space<hbm>> -> memref<64xf32, #tpu.memory_space<hbm>>
      %dma_start3A_560 = arith.constant 0 : i32
      %dma_start3A_561 = tpu.memref_slice %arg6[%add3A_553, %dma_start3A_560] : memref<512x64xf32, #tpu.memory_space<vmem>> -> memref<1x64xf32, #tpu.memory_space<vmem>>
      %dma_start3A_562 = tpu.memref_squeeze %dma_start3A_561 : memref<1x64xf32, #tpu.memory_space<vmem>> -> memref<64xf32, #tpu.memory_space<vmem>>
      %dma_start3A_563 = arith.constant 0 : i32
      %dma_start3A_564 = tpu.memref_slice %arg2[%squeeze3A_547, %dma_start3A_563] : memref<1000001x64xf32, #tpu.memory_space<hbm>> -> memref<1x64xf32, #tpu.memory_space<hbm>>
      %dma_start3A_565 = tpu.memref_squeeze %dma_start3A_564 : memref<1x64xf32, #tpu.memory_space<hbm>> -> memref<64xf32, #tpu.memory_space<hbm>>
      tpu.enqueue_dma source(%dma_start3A_565 : memref<64xf32, #tpu.memory_space<hbm>>) target(%dma_start3A_562 : memref<64xf32, #tpu.memory_space<vmem>>) target_semaphore(%arg7 : memref<!tpu.dma_semaphore, #tpu.memory_space<semaphore_mem>>)
      %slice3A_566 = vector.extract_strided_slice %get3A_345 {offsets = [11], sizes = [1], strides = [1]} : vector<16xi32> to vector<1xi32>
      %squeeze3A_567 = vector.extract %slice3A_566[0] : i32 from vector<1xi32>
      %mul3A_568 = arith.constant 64 : i32
      %mul3A_569 = arith.muli %scan3A_14, %mul3A_568 : i32
      %add3A_570 = arith.constant 16 : i32
      %add3A_571 = arith.addi %mul3A_569, %add3A_570 : i32
      %add3A_572 = arith.constant 11 : i32
      %add3A_573 = arith.addi %add3A_571, %add3A_572 : i32
      %dma_start3A_574 = arith.constant 0 : i32
      %dma_start3A_575 = tpu.memref_slice %arg6[%add3A_573, %dma_start3A_574] : memref<512x64xf32, #tpu.memory_space<vmem>> -> memref<1x64xf32, #tpu.memory_space<vmem>>
      %dma_start3A_576 = tpu.memref_squeeze %dma_start3A_575 : memref<1x64xf32, #tpu.memory_space<vmem>> -> memref<64xf32, #tpu.memory_space<vmem>>
      %dma_start3A_577 = arith.constant 0 : i32
      %dma_start3A_578 = tpu.memref_slice %arg2[%squeeze3A_567, %dma_start3A_577] : memref<1000001x64xf32, #tpu.memory_space<hbm>> -> memref<1x64xf32, #tpu.memory_space<hbm>>
      %dma_start3A_579 = tpu.memref_squeeze %dma_start3A_578 : memref<1x64xf32, #tpu.memory_space<hbm>> -> memref<64xf32, #tpu.memory_space<hbm>>
      %dma_start3A_580 = arith.constant 0 : i32
      %dma_start3A_581 = tpu.memref_slice %arg6[%add3A_573, %dma_start3A_580] : memref<512x64xf32, #tpu.memory_space<vmem>> -> memref<1x64xf32, #tpu.memory_space<vmem>>
      %dma_start3A_582 = tpu.memref_squeeze %dma_start3A_581 : memref<1x64xf32, #tpu.memory_space<vmem>> -> memref<64xf32, #tpu.memory_space<vmem>>
      %dma_start3A_583 = arith.constant 0 : i32
      %dma_start3A_584 = tpu.memref_slice %arg2[%squeeze3A_567, %dma_start3A_583] : memref<1000001x64xf32, #tpu.memory_space<hbm>> -> memref<1x64xf32, #tpu.memory_space<hbm>>
      %dma_start3A_585 = tpu.memref_squeeze %dma_start3A_584 : memref<1x64xf32, #tpu.memory_space<hbm>> -> memref<64xf32, #tpu.memory_space<hbm>>
      tpu.enqueue_dma source(%dma_start3A_585 : memref<64xf32, #tpu.memory_space<hbm>>) target(%dma_start3A_582 : memref<64xf32, #tpu.memory_space<vmem>>) target_semaphore(%arg7 : memref<!tpu.dma_semaphore, #tpu.memory_space<semaphore_mem>>)
      %slice3A_586 = vector.extract_strided_slice %get3A_345 {offsets = [12], sizes = [1], strides = [1]} : vector<16xi32> to vector<1xi32>
      %squeeze3A_587 = vector.extract %slice3A_586[0] : i32 from vector<1xi32>
      %mul3A_588 = arith.constant 64 : i32
      %mul3A_589 = arith.muli %scan3A_14, %mul3A_588 : i32
      %add3A_590 = arith.constant 16 : i32
      %add3A_591 = arith.addi %mul3A_589, %add3A_590 : i32
      %add3A_592 = arith.constant 12 : i32
      %add3A_593 = arith.addi %add3A_591, %add3A_592 : i32
      %dma_start3A_594 = arith.constant 0 : i32
      %dma_start3A_595 = tpu.memref_slice %arg6[%add3A_593, %dma_start3A_594] : memref<512x64xf32, #tpu.memory_space<vmem>> -> memref<1x64xf32, #tpu.memory_space<vmem>>
      %dma_start3A_596 = tpu.memref_squeeze %dma_start3A_595 : memref<1x64xf32, #tpu.memory_space<vmem>> -> memref<64xf32, #tpu.memory_space<vmem>>
      %dma_start3A_597 = arith.constant 0 : i32
      %dma_start3A_598 = tpu.memref_slice %arg2[%squeeze3A_587, %dma_start3A_597] : memref<1000001x64xf32, #tpu.memory_space<hbm>> -> memref<1x64xf32, #tpu.memory_space<hbm>>
      %dma_start3A_599 = tpu.memref_squeeze %dma_start3A_598 : memref<1x64xf32, #tpu.memory_space<hbm>> -> memref<64xf32, #tpu.memory_space<hbm>>
      %dma_start3A_600 = arith.constant 0 : i32
      %dma_start3A_601 = tpu.memref_slice %arg6[%add3A_593, %dma_start3A_600] : memref<512x64xf32, #tpu.memory_space<vmem>> -> memref<1x64xf32, #tpu.memory_space<vmem>>
      %dma_start3A_602 = tpu.memref_squeeze %dma_start3A_601 : memref<1x64xf32, #tpu.memory_space<vmem>> -> memref<64xf32, #tpu.memory_space<vmem>>
      %dma_start3A_603 = arith.constant 0 : i32
      %dma_start3A_604 = tpu.memref_slice %arg2[%squeeze3A_587, %dma_start3A_603] : memref<1000001x64xf32, #tpu.memory_space<hbm>> -> memref<1x64xf32, #tpu.memory_space<hbm>>
      %dma_start3A_605 = tpu.memref_squeeze %dma_start3A_604 : memref<1x64xf32, #tpu.memory_space<hbm>> -> memref<64xf32, #tpu.memory_space<hbm>>
      tpu.enqueue_dma source(%dma_start3A_605 : memref<64xf32, #tpu.memory_space<hbm>>) target(%dma_start3A_602 : memref<64xf32, #tpu.memory_space<vmem>>) target_semaphore(%arg7 : memref<!tpu.dma_semaphore, #tpu.memory_space<semaphore_mem>>)
      %slice3A_606 = vector.extract_strided_slice %get3A_345 {offsets = [13], sizes = [1], strides = [1]} : vector<16xi32> to vector<1xi32>
      %squeeze3A_607 = vector.extract %slice3A_606[0] : i32 from vector<1xi32>
      %mul3A_608 = arith.constant 64 : i32
      %mul3A_609 = arith.muli %scan3A_14, %mul3A_608 : i32
      %add3A_610 = arith.constant 16 : i32
      %add3A_611 = arith.addi %mul3A_609, %add3A_610 : i32
      %add3A_612 = arith.constant 13 : i32
      %add3A_613 = arith.addi %add3A_611, %add3A_612 : i32
      %dma_start3A_614 = arith.constant 0 : i32
      %dma_start3A_615 = tpu.memref_slice %arg6[%add3A_613, %dma_start3A_614] : memref<512x64xf32, #tpu.memory_space<vmem>> -> memref<1x64xf32, #tpu.memory_space<vmem>>
      %dma_start3A_616 = tpu.memref_squeeze %dma_start3A_615 : memref<1x64xf32, #tpu.memory_space<vmem>> -> memref<64xf32, #tpu.memory_space<vmem>>
      %dma_start3A_617 = arith.constant 0 : i32
      %dma_start3A_618 = tpu.memref_slice %arg2[%squeeze3A_607, %dma_start3A_617] : memref<1000001x64xf32, #tpu.memory_space<hbm>> -> memref<1x64xf32, #tpu.memory_space<hbm>>
      %dma_start3A_619 = tpu.memref_squeeze %dma_start3A_618 : memref<1x64xf32, #tpu.memory_space<hbm>> -> memref<64xf32, #tpu.memory_space<hbm>>
      %dma_start3A_620 = arith.constant 0 : i32
      %dma_start3A_621 = tpu.memref_slice %arg6[%add3A_613, %dma_start3A_620] : memref<512x64xf32, #tpu.memory_space<vmem>> -> memref<1x64xf32, #tpu.memory_space<vmem>>
      %dma_start3A_622 = tpu.memref_squeeze %dma_start3A_621 : memref<1x64xf32, #tpu.memory_space<vmem>> -> memref<64xf32, #tpu.memory_space<vmem>>
      %dma_start3A_623 = arith.constant 0 : i32
      %dma_start3A_624 = tpu.memref_slice %arg2[%squeeze3A_607, %dma_start3A_623] : memref<1000001x64xf32, #tpu.memory_space<hbm>> -> memref<1x64xf32, #tpu.memory_space<hbm>>
      %dma_start3A_625 = tpu.memref_squeeze %dma_start3A_624 : memref<1x64xf32, #tpu.memory_space<hbm>> -> memref<64xf32, #tpu.memory_space<hbm>>
      tpu.enqueue_dma source(%dma_start3A_625 : memref<64xf32, #tpu.memory_space<hbm>>) target(%dma_start3A_622 : memref<64xf32, #tpu.memory_space<vmem>>) target_semaphore(%arg7 : memref<!tpu.dma_semaphore, #tpu.memory_space<semaphore_mem>>)
      %slice3A_626 = vector.extract_strided_slice %get3A_345 {offsets = [14], sizes = [1], strides = [1]} : vector<16xi32> to vector<1xi32>
      %squeeze3A_627 = vector.extract %slice3A_626[0] : i32 from vector<1xi32>
      %mul3A_628 = arith.constant 64 : i32
      %mul3A_629 = arith.muli %scan3A_14, %mul3A_628 : i32
      %add3A_630 = arith.constant 16 : i32
      %add3A_631 = arith.addi %mul3A_629, %add3A_630 : i32
      %add3A_632 = arith.constant 14 : i32
      %add3A_633 = arith.addi %add3A_631, %add3A_632 : i32
      %dma_start3A_634 = arith.constant 0 : i32
      %dma_start3A_635 = tpu.memref_slice %arg6[%add3A_633, %dma_start3A_634] : memref<512x64xf32, #tpu.memory_space<vmem>> -> memref<1x64xf32, #tpu.memory_space<vmem>>
      %dma_start3A_636 = tpu.memref_squeeze %dma_start3A_635 : memref<1x64xf32, #tpu.memory_space<vmem>> -> memref<64xf32, #tpu.memory_space<vmem>>
      %dma_start3A_637 = arith.constant 0 : i32
      %dma_start3A_638 = tpu.memref_slice %arg2[%squeeze3A_627, %dma_start3A_637] : memref<1000001x64xf32, #tpu.memory_space<hbm>> -> memref<1x64xf32, #tpu.memory_space<hbm>>
      %dma_start3A_639 = tpu.memref_squeeze %dma_start3A_638 : memref<1x64xf32, #tpu.memory_space<hbm>> -> memref<64xf32, #tpu.memory_space<hbm>>
      %dma_start3A_640 = arith.constant 0 : i32
      %dma_start3A_641 = tpu.memref_slice %arg6[%add3A_633, %dma_start3A_640] : memref<512x64xf32, #tpu.memory_space<vmem>> -> memref<1x64xf32, #tpu.memory_space<vmem>>
      %dma_start3A_642 = tpu.memref_squeeze %dma_start3A_641 : memref<1x64xf32, #tpu.memory_space<vmem>> -> memref<64xf32, #tpu.memory_space<vmem>>
      %dma_start3A_643 = arith.constant 0 : i32
      %dma_start3A_644 = tpu.memref_slice %arg2[%squeeze3A_627, %dma_start3A_643] : memref<1000001x64xf32, #tpu.memory_space<hbm>> -> memref<1x64xf32, #tpu.memory_space<hbm>>
      %dma_start3A_645 = tpu.memref_squeeze %dma_start3A_644 : memref<1x64xf32, #tpu.memory_space<hbm>> -> memref<64xf32, #tpu.memory_space<hbm>>
      tpu.enqueue_dma source(%dma_start3A_645 : memref<64xf32, #tpu.memory_space<hbm>>) target(%dma_start3A_642 : memref<64xf32, #tpu.memory_space<vmem>>) target_semaphore(%arg7 : memref<!tpu.dma_semaphore, #tpu.memory_space<semaphore_mem>>)
      %slice3A_646 = vector.extract_strided_slice %get3A_345 {offsets = [15], sizes = [1], strides = [1]} : vector<16xi32> to vector<1xi32>
      %squeeze3A_647 = vector.extract %slice3A_646[0] : i32 from vector<1xi32>
      %mul3A_648 = arith.constant 64 : i32
      %mul3A_649 = arith.muli %scan3A_14, %mul3A_648 : i32
      %add3A_650 = arith.constant 16 : i32
      %add3A_651 = arith.addi %mul3A_649, %add3A_650 : i32
      %add3A_652 = arith.constant 15 : i32
      %add3A_653 = arith.addi %add3A_651, %add3A_652 : i32
      %dma_start3A_654 = arith.constant 0 : i32
      %dma_start3A_655 = tpu.memref_slice %arg6[%add3A_653, %dma_start3A_654] : memref<512x64xf32, #tpu.memory_space<vmem>> -> memref<1x64xf32, #tpu.memory_space<vmem>>
      %dma_start3A_656 = tpu.memref_squeeze %dma_start3A_655 : memref<1x64xf32, #tpu.memory_space<vmem>> -> memref<64xf32, #tpu.memory_space<vmem>>
      %dma_start3A_657 = arith.constant 0 : i32
      %dma_start3A_658 = tpu.memref_slice %arg2[%squeeze3A_647, %dma_start3A_657] : memref<1000001x64xf32, #tpu.memory_space<hbm>> -> memref<1x64xf32, #tpu.memory_space<hbm>>
      %dma_start3A_659 = tpu.memref_squeeze %dma_start3A_658 : memref<1x64xf32, #tpu.memory_space<hbm>> -> memref<64xf32, #tpu.memory_space<hbm>>
      %dma_start3A_660 = arith.constant 0 : i32
      %dma_start3A_661 = tpu.memref_slice %arg6[%add3A_653, %dma_start3A_660] : memref<512x64xf32, #tpu.memory_space<vmem>> -> memref<1x64xf32, #tpu.memory_space<vmem>>
      %dma_start3A_662 = tpu.memref_squeeze %dma_start3A_661 : memref<1x64xf32, #tpu.memory_space<vmem>> -> memref<64xf32, #tpu.memory_space<vmem>>
      %dma_start3A_663 = arith.constant 0 : i32
      %dma_start3A_664 = tpu.memref_slice %arg2[%squeeze3A_647, %dma_start3A_663] : memref<1000001x64xf32, #tpu.memory_space<hbm>> -> memref<1x64xf32, #tpu.memory_space<hbm>>
      %dma_start3A_665 = tpu.memref_squeeze %dma_start3A_664 : memref<1x64xf32, #tpu.memory_space<hbm>> -> memref<64xf32, #tpu.memory_space<hbm>>
      tpu.enqueue_dma source(%dma_start3A_665 : memref<64xf32, #tpu.memory_space<hbm>>) target(%dma_start3A_662 : memref<64xf32, #tpu.memory_space<vmem>>) target_semaphore(%arg7 : memref<!tpu.dma_semaphore, #tpu.memory_space<semaphore_mem>>)
      %mul3A_666 = arith.constant 64 : i32
      %mul3A_667 = arith.muli %scan3A_14, %mul3A_666 : i32
      %add3A_668 = arith.constant 32 : i32
      %add3A_669 = arith.addi %mul3A_667, %add3A_668 : i32
      %get3A_670 = arith.index_cast %add3A_669 : i32 to index
      %get3A_671 = tpu.vector_load %arg5[%get3A_670] {strides = array<i32>} : memref<512xi32, #tpu.memory_space<vmem>>, vector<16xi32>,
      %get3A_672 = vector.shape_cast %get3A_671 : vector<16xi32> to vector<16xi32>
      %slice3A_673 = vector.extract_strided_slice %get3A_672 {offsets = [0], sizes = [1], strides = [1]} : vector<16xi32> to vector<1xi32>
      %squeeze3A_674 = vector.extract %slice3A_673[0] : i32 from vector<1xi32>
      %mul3A_675 = arith.constant 64 : i32
      %mul3A_676 = arith.muli %scan3A_14, %mul3A_675 : i32
      %add3A_677 = arith.constant 32 : i32
      %add3A_678 = arith.addi %mul3A_676, %add3A_677 : i32
      %add3A_679 = arith.constant 0 : i32
      %add3A_680 = arith.addi %add3A_678, %add3A_679 : i32
      %dma_start3A_681 = arith.constant 0 : i32
      %dma_start3A_682 = tpu.memref_slice %arg6[%add3A_680, %dma_start3A_681] : memref<512x64xf32, #tpu.memory_space<vmem>> -> memref<1x64xf32, #tpu.memory_space<vmem>>
      %dma_start3A_683 = tpu.memref_squeeze %dma_start3A_682 : memref<1x64xf32, #tpu.memory_space<vmem>> -> memref<64xf32, #tpu.memory_space<vmem>>
      %dma_start3A_684 = arith.constant 0 : i32
      %dma_start3A_685 = tpu.memref_slice %arg2[%squeeze3A_674, %dma_start3A_684] : memref<1000001x64xf32, #tpu.memory_space<hbm>> -> memref<1x64xf32, #tpu.memory_space<hbm>>
      %dma_start3A_686 = tpu.memref_squeeze %dma_start3A_685 : memref<1x64xf32, #tpu.memory_space<hbm>> -> memref<64xf32, #tpu.memory_space<hbm>>
      %dma_start3A_687 = arith.constant 0 : i32
      %dma_start3A_688 = tpu.memref_slice %arg6[%add3A_680, %dma_start3A_687] : memref<512x64xf32, #tpu.memory_space<vmem>> -> memref<1x64xf32, #tpu.memory_space<vmem>>
      %dma_start3A_689 = tpu.memref_squeeze %dma_start3A_688 : memref<1x64xf32, #tpu.memory_space<vmem>> -> memref<64xf32, #tpu.memory_space<vmem>>
      %dma_start3A_690 = arith.constant 0 : i32
      %dma_start3A_691 = tpu.memref_slice %arg2[%squeeze3A_674, %dma_start3A_690] : memref<1000001x64xf32, #tpu.memory_space<hbm>> -> memref<1x64xf32, #tpu.memory_space<hbm>>
      %dma_start3A_692 = tpu.memref_squeeze %dma_start3A_691 : memref<1x64xf32, #tpu.memory_space<hbm>> -> memref<64xf32, #tpu.memory_space<hbm>>
      tpu.enqueue_dma source(%dma_start3A_692 : memref<64xf32, #tpu.memory_space<hbm>>) target(%dma_start3A_689 : memref<64xf32, #tpu.memory_space<vmem>>) target_semaphore(%arg7 : memref<!tpu.dma_semaphore, #tpu.memory_space<semaphore_mem>>)
      %slice3A_693 = vector.extract_strided_slice %get3A_672 {offsets = [1], sizes = [1], strides = [1]} : vector<16xi32> to vector<1xi32>
      %squeeze3A_694 = vector.extract %slice3A_693[0] : i32 from vector<1xi32>
      %mul3A_695 = arith.constant 64 : i32
      %mul3A_696 = arith.muli %scan3A_14, %mul3A_695 : i32
      %add3A_697 = arith.constant 32 : i32
      %add3A_698 = arith.addi %mul3A_696, %add3A_697 : i32
      %add3A_699 = arith.constant 1 : i32
      %add3A_700 = arith.addi %add3A_698, %add3A_699 : i32
      %dma_start3A_701 = arith.constant 0 : i32
      %dma_start3A_702 = tpu.memref_slice %arg6[%add3A_700, %dma_start3A_701] : memref<512x64xf32, #tpu.memory_space<vmem>> -> memref<1x64xf32, #tpu.memory_space<vmem>>
      %dma_start3A_703 = tpu.memref_squeeze %dma_start3A_702 : memref<1x64xf32, #tpu.memory_space<vmem>> -> memref<64xf32, #tpu.memory_space<vmem>>
      %dma_start3A_704 = arith.constant 0 : i32
      %dma_start3A_705 = tpu.memref_slice %arg2[%squeeze3A_694, %dma_start3A_704] : memref<1000001x64xf32, #tpu.memory_space<hbm>> -> memref<1x64xf32, #tpu.memory_space<hbm>>
      %dma_start3A_706 = tpu.memref_squeeze %dma_start3A_705 : memref<1x64xf32, #tpu.memory_space<hbm>> -> memref<64xf32, #tpu.memory_space<hbm>>
      %dma_start3A_707 = arith.constant 0 : i32
      %dma_start3A_708 = tpu.memref_slice %arg6[%add3A_700, %dma_start3A_707] : memref<512x64xf32, #tpu.memory_space<vmem>> -> memref<1x64xf32, #tpu.memory_space<vmem>>
      %dma_start3A_709 = tpu.memref_squeeze %dma_start3A_708 : memref<1x64xf32, #tpu.memory_space<vmem>> -> memref<64xf32, #tpu.memory_space<vmem>>
      %dma_start3A_710 = arith.constant 0 : i32
      %dma_start3A_711 = tpu.memref_slice %arg2[%squeeze3A_694, %dma_start3A_710] : memref<1000001x64xf32, #tpu.memory_space<hbm>> -> memref<1x64xf32, #tpu.memory_space<hbm>>
      %dma_start3A_712 = tpu.memref_squeeze %dma_start3A_711 : memref<1x64xf32, #tpu.memory_space<hbm>> -> memref<64xf32, #tpu.memory_space<hbm>>
      tpu.enqueue_dma source(%dma_start3A_712 : memref<64xf32, #tpu.memory_space<hbm>>) target(%dma_start3A_709 : memref<64xf32, #tpu.memory_space<vmem>>) target_semaphore(%arg7 : memref<!tpu.dma_semaphore, #tpu.memory_space<semaphore_mem>>)
      %slice3A_713 = vector.extract_strided_slice %get3A_672 {offsets = [2], sizes = [1], strides = [1]} : vector<16xi32> to vector<1xi32>
      %squeeze3A_714 = vector.extract %slice3A_713[0] : i32 from vector<1xi32>
      %mul3A_715 = arith.constant 64 : i32
      %mul3A_716 = arith.muli %scan3A_14, %mul3A_715 : i32
      %add3A_717 = arith.constant 32 : i32
      %add3A_718 = arith.addi %mul3A_716, %add3A_717 : i32
      %add3A_719 = arith.constant 2 : i32
      %add3A_720 = arith.addi %add3A_718, %add3A_719 : i32
      %dma_start3A_721 = arith.constant 0 : i32
      %dma_start3A_722 = tpu.memref_slice %arg6[%add3A_720, %dma_start3A_721] : memref<512x64xf32, #tpu.memory_space<vmem>> -> memref<1x64xf32, #tpu.memory_space<vmem>>
      %dma_start3A_723 = tpu.memref_squeeze %dma_start3A_722 : memref<1x64xf32, #tpu.memory_space<vmem>> -> memref<64xf32, #tpu.memory_space<vmem>>
      %dma_start3A_724 = arith.constant 0 : i32
      %dma_start3A_725 = tpu.memref_slice %arg2[%squeeze3A_714, %dma_start3A_724] : memref<1000001x64xf32, #tpu.memory_space<hbm>> -> memref<1x64xf32, #tpu.memory_space<hbm>>
      %dma_start3A_726 = tpu.memref_squeeze %dma_start3A_725 : memref<1x64xf32, #tpu.memory_space<hbm>> -> memref<64xf32, #tpu.memory_space<hbm>>
      %dma_start3A_727 = arith.constant 0 : i32
      %dma_start3A_728 = tpu.memref_slice %arg6[%add3A_720, %dma_start3A_727] : memref<512x64xf32, #tpu.memory_space<vmem>> -> memref<1x64xf32, #tpu.memory_space<vmem>>
      %dma_start3A_729 = tpu.memref_squeeze %dma_start3A_728 : memref<1x64xf32, #tpu.memory_space<vmem>> -> memref<64xf32, #tpu.memory_space<vmem>>
      %dma_start3A_730 = arith.constant 0 : i32
      %dma_start3A_731 = tpu.memref_slice %arg2[%squeeze3A_714, %dma_start3A_730] : memref<1000001x64xf32, #tpu.memory_space<hbm>> -> memref<1x64xf32, #tpu.memory_space<hbm>>
      %dma_start3A_732 = tpu.memref_squeeze %dma_start3A_731 : memref<1x64xf32, #tpu.memory_space<hbm>> -> memref<64xf32, #tpu.memory_space<hbm>>
      tpu.enqueue_dma source(%dma_start3A_732 : memref<64xf32, #tpu.memory_space<hbm>>) target(%dma_start3A_729 : memref<64xf32, #tpu.memory_space<vmem>>) target_semaphore(%arg7 : memref<!tpu.dma_semaphore, #tpu.memory_space<semaphore_mem>>)
      %slice3A_733 = vector.extract_strided_slice %get3A_672 {offsets = [3], sizes = [1], strides = [1]} : vector<16xi32> to vector<1xi32>
      %squeeze3A_734 = vector.extract %slice3A_733[0] : i32 from vector<1xi32>
      %mul3A_735 = arith.constant 64 : i32
      %mul3A_736 = arith.muli %scan3A_14, %mul3A_735 : i32
      %add3A_737 = arith.constant 32 : i32
      %add3A_738 = arith.addi %mul3A_736, %add3A_737 : i32
      %add3A_739 = arith.constant 3 : i32
      %add3A_740 = arith.addi %add3A_738, %add3A_739 : i32
      %dma_start3A_741 = arith.constant 0 : i32
      %dma_start3A_742 = tpu.memref_slice %arg6[%add3A_740, %dma_start3A_741] : memref<512x64xf32, #tpu.memory_space<vmem>> -> memref<1x64xf32, #tpu.memory_space<vmem>>
      %dma_start3A_743 = tpu.memref_squeeze %dma_start3A_742 : memref<1x64xf32, #tpu.memory_space<vmem>> -> memref<64xf32, #tpu.memory_space<vmem>>
      %dma_start3A_744 = arith.constant 0 : i32
      %dma_start3A_745 = tpu.memref_slice %arg2[%squeeze3A_734, %dma_start3A_744] : memref<1000001x64xf32, #tpu.memory_space<hbm>> -> memref<1x64xf32, #tpu.memory_space<hbm>>
      %dma_start3A_746 = tpu.memref_squeeze %dma_start3A_745 : memref<1x64xf32, #tpu.memory_space<hbm>> -> memref<64xf32, #tpu.memory_space<hbm>>
      %dma_start3A_747 = arith.constant 0 : i32
      %dma_start3A_748 = tpu.memref_slice %arg6[%add3A_740, %dma_start3A_747] : memref<512x64xf32, #tpu.memory_space<vmem>> -> memref<1x64xf32, #tpu.memory_space<vmem>>
      %dma_start3A_749 = tpu.memref_squeeze %dma_start3A_748 : memref<1x64xf32, #tpu.memory_space<vmem>> -> memref<64xf32, #tpu.memory_space<vmem>>
      %dma_start3A_750 = arith.constant 0 : i32
      %dma_start3A_751 = tpu.memref_slice %arg2[%squeeze3A_734, %dma_start3A_750] : memref<1000001x64xf32, #tpu.memory_space<hbm>> -> memref<1x64xf32, #tpu.memory_space<hbm>>
      %dma_start3A_752 = tpu.memref_squeeze %dma_start3A_751 : memref<1x64xf32, #tpu.memory_space<hbm>> -> memref<64xf32, #tpu.memory_space<hbm>>
      tpu.enqueue_dma source(%dma_start3A_752 : memref<64xf32, #tpu.memory_space<hbm>>) target(%dma_start3A_749 : memref<64xf32, #tpu.memory_space<vmem>>) target_semaphore(%arg7 : memref<!tpu.dma_semaphore, #tpu.memory_space<semaphore_mem>>)
      %slice3A_753 = vector.extract_strided_slice %get3A_672 {offsets = [4], sizes = [1], strides = [1]} : vector<16xi32> to vector<1xi32>
      %squeeze3A_754 = vector.extract %slice3A_753[0] : i32 from vector<1xi32>
      %mul3A_755 = arith.constant 64 : i32
      %mul3A_756 = arith.muli %scan3A_14, %mul3A_755 : i32
      %add3A_757 = arith.constant 32 : i32
      %add3A_758 = arith.addi %mul3A_756, %add3A_757 : i32
      %add3A_759 = arith.constant 4 : i32
      %add3A_760 = arith.addi %add3A_758, %add3A_759 : i32
      %dma_start3A_761 = arith.constant 0 : i32
      %dma_start3A_762 = tpu.memref_slice %arg6[%add3A_760, %dma_start3A_761] : memref<512x64xf32, #tpu.memory_space<vmem>> -> memref<1x64xf32, #tpu.memory_space<vmem>>
      %dma_start3A_763 = tpu.memref_squeeze %dma_start3A_762 : memref<1x64xf32, #tpu.memory_space<vmem>> -> memref<64xf32, #tpu.memory_space<vmem>>
      %dma_start3A_764 = arith.constant 0 : i32
      %dma_start3A_765 = tpu.memref_slice %arg2[%squeeze3A_754, %dma_start3A_764] : memref<1000001x64xf32, #tpu.memory_space<hbm>> -> memref<1x64xf32, #tpu.memory_space<hbm>>
      %dma_start3A_766 = tpu.memref_squeeze %dma_start3A_765 : memref<1x64xf32, #tpu.memory_space<hbm>> -> memref<64xf32, #tpu.memory_space<hbm>>
      %dma_start3A_767 = arith.constant 0 : i32
      %dma_start3A_768 = tpu.memref_slice %arg6[%add3A_760, %dma_start3A_767] : memref<512x64xf32, #tpu.memory_space<vmem>> -> memref<1x64xf32, #tpu.memory_space<vmem>>
      %dma_start3A_769 = tpu.memref_squeeze %dma_start3A_768 : memref<1x64xf32, #tpu.memory_space<vmem>> -> memref<64xf32, #tpu.memory_space<vmem>>
      %dma_start3A_770 = arith.constant 0 : i32
      %dma_start3A_771 = tpu.memref_slice %arg2[%squeeze3A_754, %dma_start3A_770] : memref<1000001x64xf32, #tpu.memory_space<hbm>> -> memref<1x64xf32, #tpu.memory_space<hbm>>
      %dma_start3A_772 = tpu.memref_squeeze %dma_start3A_771 : memref<1x64xf32, #tpu.memory_space<hbm>> -> memref<64xf32, #tpu.memory_space<hbm>>
      tpu.enqueue_dma source(%dma_start3A_772 : memref<64xf32, #tpu.memory_space<hbm>>) target(%dma_start3A_769 : memref<64xf32, #tpu.memory_space<vmem>>) target_semaphore(%arg7 : memref<!tpu.dma_semaphore, #tpu.memory_space<semaphore_mem>>)
      %slice3A_773 = vector.extract_strided_slice %get3A_672 {offsets = [5], sizes = [1], strides = [1]} : vector<16xi32> to vector<1xi32>
      %squeeze3A_774 = vector.extract %slice3A_773[0] : i32 from vector<1xi32>
      %mul3A_775 = arith.constant 64 : i32
      %mul3A_776 = arith.muli %scan3A_14, %mul3A_775 : i32
      %add3A_777 = arith.constant 32 : i32
      %add3A_778 = arith.addi %mul3A_776, %add3A_777 : i32
      %add3A_779 = arith.constant 5 : i32
      %add3A_780 = arith.addi %add3A_778, %add3A_779 : i32
      %dma_start3A_781 = arith.constant 0 : i32
      %dma_start3A_782 = tpu.memref_slice %arg6[%add3A_780, %dma_start3A_781] : memref<512x64xf32, #tpu.memory_space<vmem>> -> memref<1x64xf32, #tpu.memory_space<vmem>>
      %dma_start3A_783 = tpu.memref_squeeze %dma_start3A_782 : memref<1x64xf32, #tpu.memory_space<vmem>> -> memref<64xf32, #tpu.memory_space<vmem>>
      %dma_start3A_784 = arith.constant 0 : i32
      %dma_start3A_785 = tpu.memref_slice %arg2[%squeeze3A_774, %dma_start3A_784] : memref<1000001x64xf32, #tpu.memory_space<hbm>> -> memref<1x64xf32, #tpu.memory_space<hbm>>
      %dma_start3A_786 = tpu.memref_squeeze %dma_start3A_785 : memref<1x64xf32, #tpu.memory_space<hbm>> -> memref<64xf32, #tpu.memory_space<hbm>>
      %dma_start3A_787 = arith.constant 0 : i32
      %dma_start3A_788 = tpu.memref_slice %arg6[%add3A_780, %dma_start3A_787] : memref<512x64xf32, #tpu.memory_space<vmem>> -> memref<1x64xf32, #tpu.memory_space<vmem>>
      %dma_start3A_789 = tpu.memref_squeeze %dma_start3A_788 : memref<1x64xf32, #tpu.memory_space<vmem>> -> memref<64xf32, #tpu.memory_space<vmem>>
      %dma_start3A_790 = arith.constant 0 : i32
      %dma_start3A_791 = tpu.memref_slice %arg2[%squeeze3A_774, %dma_start3A_790] : memref<1000001x64xf32, #tpu.memory_space<hbm>> -> memref<1x64xf32, #tpu.memory_space<hbm>>
      %dma_start3A_792 = tpu.memref_squeeze %dma_start3A_791 : memref<1x64xf32, #tpu.memory_space<hbm>> -> memref<64xf32, #tpu.memory_space<hbm>>
      tpu.enqueue_dma source(%dma_start3A_792 : memref<64xf32, #tpu.memory_space<hbm>>) target(%dma_start3A_789 : memref<64xf32, #tpu.memory_space<vmem>>) target_semaphore(%arg7 : memref<!tpu.dma_semaphore, #tpu.memory_space<semaphore_mem>>)
      %slice3A_793 = vector.extract_strided_slice %get3A_672 {offsets = [6], sizes = [1], strides = [1]} : vector<16xi32> to vector<1xi32>
      %squeeze3A_794 = vector.extract %slice3A_793[0] : i32 from vector<1xi32>
      %mul3A_795 = arith.constant 64 : i32
      %mul3A_796 = arith.muli %scan3A_14, %mul3A_795 : i32
      %add3A_797 = arith.constant 32 : i32
      %add3A_798 = arith.addi %mul3A_796, %add3A_797 : i32
      %add3A_799 = arith.constant 6 : i32
      %add3A_800 = arith.addi %add3A_798, %add3A_799 : i32
      %dma_start3A_801 = arith.constant 0 : i32
      %dma_start3A_802 = tpu.memref_slice %arg6[%add3A_800, %dma_start3A_801] : memref<512x64xf32, #tpu.memory_space<vmem>> -> memref<1x64xf32, #tpu.memory_space<vmem>>
      %dma_start3A_803 = tpu.memref_squeeze %dma_start3A_802 : memref<1x64xf32, #tpu.memory_space<vmem>> -> memref<64xf32, #tpu.memory_space<vmem>>
      %dma_start3A_804 = arith.constant 0 : i32
      %dma_start3A_805 = tpu.memref_slice %arg2[%squeeze3A_794, %dma_start3A_804] : memref<1000001x64xf32, #tpu.memory_space<hbm>> -> memref<1x64xf32, #tpu.memory_space<hbm>>
      %dma_start3A_806 = tpu.memref_squeeze %dma_start3A_805 : memref<1x64xf32, #tpu.memory_space<hbm>> -> memref<64xf32, #tpu.memory_space<hbm>>
      %dma_start3A_807 = arith.constant 0 : i32
      %dma_start3A_808 = tpu.memref_slice %arg6[%add3A_800, %dma_start3A_807] : memref<512x64xf32, #tpu.memory_space<vmem>> -> memref<1x64xf32, #tpu.memory_space<vmem>>
      %dma_start3A_809 = tpu.memref_squeeze %dma_start3A_808 : memref<1x64xf32, #tpu.memory_space<vmem>> -> memref<64xf32, #tpu.memory_space<vmem>>
      %dma_start3A_810 = arith.constant 0 : i32
      %dma_start3A_811 = tpu.memref_slice %arg2[%squeeze3A_794, %dma_start3A_810] : memref<1000001x64xf32, #tpu.memory_space<hbm>> -> memref<1x64xf32, #tpu.memory_space<hbm>>
      %dma_start3A_812 = tpu.memref_squeeze %dma_start3A_811 : memref<1x64xf32, #tpu.memory_space<hbm>> -> memref<64xf32, #tpu.memory_space<hbm>>
      tpu.enqueue_dma source(%dma_start3A_812 : memref<64xf32, #tpu.memory_space<hbm>>) target(%dma_start3A_809 : memref<64xf32, #tpu.memory_space<vmem>>) target_semaphore(%arg7 : memref<!tpu.dma_semaphore, #tpu.memory_space<semaphore_mem>>)
      %slice3A_813 = vector.extract_strided_slice %get3A_672 {offsets = [7], sizes = [1], strides = [1]} : vector<16xi32> to vector<1xi32>
      %squeeze3A_814 = vector.extract %slice3A_813[0] : i32 from vector<1xi32>
      %mul3A_815 = arith.constant 64 : i32
      %mul3A_816 = arith.muli %scan3A_14, %mul3A_815 : i32
      %add3A_817 = arith.constant 32 : i32
      %add3A_818 = arith.addi %mul3A_816, %add3A_817 : i32
      %add3A_819 = arith.constant 7 : i32
      %add3A_820 = arith.addi %add3A_818, %add3A_819 : i32
      %dma_start3A_821 = arith.constant 0 : i32
      %dma_start3A_822 = tpu.memref_slice %arg6[%add3A_820, %dma_start3A_821] : memref<512x64xf32, #tpu.memory_space<vmem>> -> memref<1x64xf32, #tpu.memory_space<vmem>>
      %dma_start3A_823 = tpu.memref_squeeze %dma_start3A_822 : memref<1x64xf32, #tpu.memory_space<vmem>> -> memref<64xf32, #tpu.memory_space<vmem>>
      %dma_start3A_824 = arith.constant 0 : i32
      %dma_start3A_825 = tpu.memref_slice %arg2[%squeeze3A_814, %dma_start3A_824] : memref<1000001x64xf32, #tpu.memory_space<hbm>> -> memref<1x64xf32, #tpu.memory_space<hbm>>
      %dma_start3A_826 = tpu.memref_squeeze %dma_start3A_825 : memref<1x64xf32, #tpu.memory_space<hbm>> -> memref<64xf32, #tpu.memory_space<hbm>>
      %dma_start3A_827 = arith.constant 0 : i32
      %dma_start3A_828 = tpu.memref_slice %arg6[%add3A_820, %dma_start3A_827] : memref<512x64xf32, #tpu.memory_space<vmem>> -> memref<1x64xf32, #tpu.memory_space<vmem>>
      %dma_start3A_829 = tpu.memref_squeeze %dma_start3A_828 : memref<1x64xf32, #tpu.memory_space<vmem>> -> memref<64xf32, #tpu.memory_space<vmem>>
      %dma_start3A_830 = arith.constant 0 : i32
      %dma_start3A_831 = tpu.memref_slice %arg2[%squeeze3A_814, %dma_start3A_830] : memref<1000001x64xf32, #tpu.memory_space<hbm>> -> memref<1x64xf32, #tpu.memory_space<hbm>>
      %dma_start3A_832 = tpu.memref_squeeze %dma_start3A_831 : memref<1x64xf32, #tpu.memory_space<hbm>> -> memref<64xf32, #tpu.memory_space<hbm>>
      tpu.enqueue_dma source(%dma_start3A_832 : memref<64xf32, #tpu.memory_space<hbm>>) target(%dma_start3A_829 : memref<64xf32, #tpu.memory_space<vmem>>) target_semaphore(%arg7 : memref<!tpu.dma_semaphore, #tpu.memory_space<semaphore_mem>>)
      %slice3A_833 = vector.extract_strided_slice %get3A_672 {offsets = [8], sizes = [1], strides = [1]} : vector<16xi32> to vector<1xi32>
      %squeeze3A_834 = vector.extract %slice3A_833[0] : i32 from vector<1xi32>
      %mul3A_835 = arith.constant 64 : i32
      %mul3A_836 = arith.muli %scan3A_14, %mul3A_835 : i32
      %add3A_837 = arith.constant 32 : i32
      %add3A_838 = arith.addi %mul3A_836, %add3A_837 : i32
      %add3A_839 = arith.constant 8 : i32
      %add3A_840 = arith.addi %add3A_838, %add3A_839 : i32
      %dma_start3A_841 = arith.constant 0 : i32
      %dma_start3A_842 = tpu.memref_slice %arg6[%add3A_840, %dma_start3A_841] : memref<512x64xf32, #tpu.memory_space<vmem>> -> memref<1x64xf32, #tpu.memory_space<vmem>>
      %dma_start3A_843 = tpu.memref_squeeze %dma_start3A_842 : memref<1x64xf32, #tpu.memory_space<vmem>> -> memref<64xf32, #tpu.memory_space<vmem>>
      %dma_start3A_844 = arith.constant 0 : i32
      %dma_start3A_845 = tpu.memref_slice %arg2[%squeeze3A_834, %dma_start3A_844] : memref<1000001x64xf32, #tpu.memory_space<hbm>> -> memref<1x64xf32, #tpu.memory_space<hbm>>
      %dma_start3A_846 = tpu.memref_squeeze %dma_start3A_845 : memref<1x64xf32, #tpu.memory_space<hbm>> -> memref<64xf32, #tpu.memory_space<hbm>>
      %dma_start3A_847 = arith.constant 0 : i32
      %dma_start3A_848 = tpu.memref_slice %arg6[%add3A_840, %dma_start3A_847] : memref<512x64xf32, #tpu.memory_space<vmem>> -> memref<1x64xf32, #tpu.memory_space<vmem>>
      %dma_start3A_849 = tpu.memref_squeeze %dma_start3A_848 : memref<1x64xf32, #tpu.memory_space<vmem>> -> memref<64xf32, #tpu.memory_space<vmem>>
      %dma_start3A_850 = arith.constant 0 : i32
      %dma_start3A_851 = tpu.memref_slice %arg2[%squeeze3A_834, %dma_start3A_850] : memref<1000001x64xf32, #tpu.memory_space<hbm>> -> memref<1x64xf32, #tpu.memory_space<hbm>>
      %dma_start3A_852 = tpu.memref_squeeze %dma_start3A_851 : memref<1x64xf32, #tpu.memory_space<hbm>> -> memref<64xf32, #tpu.memory_space<hbm>>
      tpu.enqueue_dma source(%dma_start3A_852 : memref<64xf32, #tpu.memory_space<hbm>>) target(%dma_start3A_849 : memref<64xf32, #tpu.memory_space<vmem>>) target_semaphore(%arg7 : memref<!tpu.dma_semaphore, #tpu.memory_space<semaphore_mem>>)
      %slice3A_853 = vector.extract_strided_slice %get3A_672 {offsets = [9], sizes = [1], strides = [1]} : vector<16xi32> to vector<1xi32>
      %squeeze3A_854 = vector.extract %slice3A_853[0] : i32 from vector<1xi32>
      %mul3A_855 = arith.constant 64 : i32
      %mul3A_856 = arith.muli %scan3A_14, %mul3A_855 : i32
      %add3A_857 = arith.constant 32 : i32
      %add3A_858 = arith.addi %mul3A_856, %add3A_857 : i32
      %add3A_859 = arith.constant 9 : i32
      %add3A_860 = arith.addi %add3A_858, %add3A_859 : i32
      %dma_start3A_861 = arith.constant 0 : i32
      %dma_start3A_862 = tpu.memref_slice %arg6[%add3A_860, %dma_start3A_861] : memref<512x64xf32, #tpu.memory_space<vmem>> -> memref<1x64xf32, #tpu.memory_space<vmem>>
      %dma_start3A_863 = tpu.memref_squeeze %dma_start3A_862 : memref<1x64xf32, #tpu.memory_space<vmem>> -> memref<64xf32, #tpu.memory_space<vmem>>
      %dma_start3A_864 = arith.constant 0 : i32
      %dma_start3A_865 = tpu.memref_slice %arg2[%squeeze3A_854, %dma_start3A_864] : memref<1000001x64xf32, #tpu.memory_space<hbm>> -> memref<1x64xf32, #tpu.memory_space<hbm>>
      %dma_start3A_866 = tpu.memref_squeeze %dma_start3A_865 : memref<1x64xf32, #tpu.memory_space<hbm>> -> memref<64xf32, #tpu.memory_space<hbm>>
      %dma_start3A_867 = arith.constant 0 : i32
      %dma_start3A_868 = tpu.memref_slice %arg6[%add3A_860, %dma_start3A_867] : memref<512x64xf32, #tpu.memory_space<vmem>> -> memref<1x64xf32, #tpu.memory_space<vmem>>
      %dma_start3A_869 = tpu.memref_squeeze %dma_start3A_868 : memref<1x64xf32, #tpu.memory_space<vmem>> -> memref<64xf32, #tpu.memory_space<vmem>>
      %dma_start3A_870 = arith.constant 0 : i32
      %dma_start3A_871 = tpu.memref_slice %arg2[%squeeze3A_854, %dma_start3A_870] : memref<1000001x64xf32, #tpu.memory_space<hbm>> -> memref<1x64xf32, #tpu.memory_space<hbm>>
      %dma_start3A_872 = tpu.memref_squeeze %dma_start3A_871 : memref<1x64xf32, #tpu.memory_space<hbm>> -> memref<64xf32, #tpu.memory_space<hbm>>
      tpu.enqueue_dma source(%dma_start3A_872 : memref<64xf32, #tpu.memory_space<hbm>>) target(%dma_start3A_869 : memref<64xf32, #tpu.memory_space<vmem>>) target_semaphore(%arg7 : memref<!tpu.dma_semaphore, #tpu.memory_space<semaphore_mem>>)
      %slice3A_873 = vector.extract_strided_slice %get3A_672 {offsets = [10], sizes = [1], strides = [1]} : vector<16xi32> to vector<1xi32>
      %squeeze3A_874 = vector.extract %slice3A_873[0] : i32 from vector<1xi32>
      %mul3A_875 = arith.constant 64 : i32
      %mul3A_876 = arith.muli %scan3A_14, %mul3A_875 : i32
      %add3A_877 = arith.constant 32 : i32
      %add3A_878 = arith.addi %mul3A_876, %add3A_877 : i32
      %add3A_879 = arith.constant 10 : i32
      %add3A_880 = arith.addi %add3A_878, %add3A_879 : i32
      %dma_start3A_881 = arith.constant 0 : i32
      %dma_start3A_882 = tpu.memref_slice %arg6[%add3A_880, %dma_start3A_881] : memref<512x64xf32, #tpu.memory_space<vmem>> -> memref<1x64xf32, #tpu.memory_space<vmem>>
      %dma_start3A_883 = tpu.memref_squeeze %dma_start3A_882 : memref<1x64xf32, #tpu.memory_space<vmem>> -> memref<64xf32, #tpu.memory_space<vmem>>
      %dma_start3A_884 = arith.constant 0 : i32
      %dma_start3A_885 = tpu.memref_slice %arg2[%squeeze3A_874, %dma_start3A_884] : memref<1000001x64xf32, #tpu.memory_space<hbm>> -> memref<1x64xf32, #tpu.memory_space<hbm>>
      %dma_start3A_886 = tpu.memref_squeeze %dma_start3A_885 : memref<1x64xf32, #tpu.memory_space<hbm>> -> memref<64xf32, #tpu.memory_space<hbm>>
      %dma_start3A_887 = arith.constant 0 : i32
      %dma_start3A_888 = tpu.memref_slice %arg6[%add3A_880, %dma_start3A_887] : memref<512x64xf32, #tpu.memory_space<vmem>> -> memref<1x64xf32, #tpu.memory_space<vmem>>
      %dma_start3A_889 = tpu.memref_squeeze %dma_start3A_888 : memref<1x64xf32, #tpu.memory_space<vmem>> -> memref<64xf32, #tpu.memory_space<vmem>>
      %dma_start3A_890 = arith.constant 0 : i32
      %dma_start3A_891 = tpu.memref_slice %arg2[%squeeze3A_874, %dma_start3A_890] : memref<1000001x64xf32, #tpu.memory_space<hbm>> -> memref<1x64xf32, #tpu.memory_space<hbm>>
      %dma_start3A_892 = tpu.memref_squeeze %dma_start3A_891 : memref<1x64xf32, #tpu.memory_space<hbm>> -> memref<64xf32, #tpu.memory_space<hbm>>
      tpu.enqueue_dma source(%dma_start3A_892 : memref<64xf32, #tpu.memory_space<hbm>>) target(%dma_start3A_889 : memref<64xf32, #tpu.memory_space<vmem>>) target_semaphore(%arg7 : memref<!tpu.dma_semaphore, #tpu.memory_space<semaphore_mem>>)
      %slice3A_893 = vector.extract_strided_slice %get3A_672 {offsets = [11], sizes = [1], strides = [1]} : vector<16xi32> to vector<1xi32>
      %squeeze3A_894 = vector.extract %slice3A_893[0] : i32 from vector<1xi32>
      %mul3A_895 = arith.constant 64 : i32
      %mul3A_896 = arith.muli %scan3A_14, %mul3A_895 : i32
      %add3A_897 = arith.constant 32 : i32
      %add3A_898 = arith.addi %mul3A_896, %add3A_897 : i32
      %add3A_899 = arith.constant 11 : i32
      %add3A_900 = arith.addi %add3A_898, %add3A_899 : i32
      %dma_start3A_901 = arith.constant 0 : i32
      %dma_start3A_902 = tpu.memref_slice %arg6[%add3A_900, %dma_start3A_901] : memref<512x64xf32, #tpu.memory_space<vmem>> -> memref<1x64xf32, #tpu.memory_space<vmem>>
      %dma_start3A_903 = tpu.memref_squeeze %dma_start3A_902 : memref<1x64xf32, #tpu.memory_space<vmem>> -> memref<64xf32, #tpu.memory_space<vmem>>
      %dma_start3A_904 = arith.constant 0 : i32
      %dma_start3A_905 = tpu.memref_slice %arg2[%squeeze3A_894, %dma_start3A_904] : memref<1000001x64xf32, #tpu.memory_space<hbm>> -> memref<1x64xf32, #tpu.memory_space<hbm>>
      %dma_start3A_906 = tpu.memref_squeeze %dma_start3A_905 : memref<1x64xf32, #tpu.memory_space<hbm>> -> memref<64xf32, #tpu.memory_space<hbm>>
      %dma_start3A_907 = arith.constant 0 : i32
      %dma_start3A_908 = tpu.memref_slice %arg6[%add3A_900, %dma_start3A_907] : memref<512x64xf32, #tpu.memory_space<vmem>> -> memref<1x64xf32, #tpu.memory_space<vmem>>
      %dma_start3A_909 = tpu.memref_squeeze %dma_start3A_908 : memref<1x64xf32, #tpu.memory_space<vmem>> -> memref<64xf32, #tpu.memory_space<vmem>>
      %dma_start3A_910 = arith.constant 0 : i32
      %dma_start3A_911 = tpu.memref_slice %arg2[%squeeze3A_894, %dma_start3A_910] : memref<1000001x64xf32, #tpu.memory_space<hbm>> -> memref<1x64xf32, #tpu.memory_space<hbm>>
      %dma_start3A_912 = tpu.memref_squeeze %dma_start3A_911 : memref<1x64xf32, #tpu.memory_space<hbm>> -> memref<64xf32, #tpu.memory_space<hbm>>
      tpu.enqueue_dma source(%dma_start3A_912 : memref<64xf32, #tpu.memory_space<hbm>>) target(%dma_start3A_909 : memref<64xf32, #tpu.memory_space<vmem>>) target_semaphore(%arg7 : memref<!tpu.dma_semaphore, #tpu.memory_space<semaphore_mem>>)
      %slice3A_913 = vector.extract_strided_slice %get3A_672 {offsets = [12], sizes = [1], strides = [1]} : vector<16xi32> to vector<1xi32>
      %squeeze3A_914 = vector.extract %slice3A_913[0] : i32 from vector<1xi32>
      %mul3A_915 = arith.constant 64 : i32
      %mul3A_916 = arith.muli %scan3A_14, %mul3A_915 : i32
      %add3A_917 = arith.constant 32 : i32
      %add3A_918 = arith.addi %mul3A_916, %add3A_917 : i32
      %add3A_919 = arith.constant 12 : i32
      %add3A_920 = arith.addi %add3A_918, %add3A_919 : i32
      %dma_start3A_921 = arith.constant 0 : i32
      %dma_start3A_922 = tpu.memref_slice %arg6[%add3A_920, %dma_start3A_921] : memref<512x64xf32, #tpu.memory_space<vmem>> -> memref<1x64xf32, #tpu.memory_space<vmem>>
      %dma_start3A_923 = tpu.memref_squeeze %dma_start3A_922 : memref<1x64xf32, #tpu.memory_space<vmem>> -> memref<64xf32, #tpu.memory_space<vmem>>
      %dma_start3A_924 = arith.constant 0 : i32
      %dma_start3A_925 = tpu.memref_slice %arg2[%squeeze3A_914, %dma_start3A_924] : memref<1000001x64xf32, #tpu.memory_space<hbm>> -> memref<1x64xf32, #tpu.memory_space<hbm>>
      %dma_start3A_926 = tpu.memref_squeeze %dma_start3A_925 : memref<1x64xf32, #tpu.memory_space<hbm>> -> memref<64xf32, #tpu.memory_space<hbm>>
      %dma_start3A_927 = arith.constant 0 : i32
      %dma_start3A_928 = tpu.memref_slice %arg6[%add3A_920, %dma_start3A_927] : memref<512x64xf32, #tpu.memory_space<vmem>> -> memref<1x64xf32, #tpu.memory_space<vmem>>
      %dma_start3A_929 = tpu.memref_squeeze %dma_start3A_928 : memref<1x64xf32, #tpu.memory_space<vmem>> -> memref<64xf32, #tpu.memory_space<vmem>>
      %dma_start3A_930 = arith.constant 0 : i32
      %dma_start3A_931 = tpu.memref_slice %arg2[%squeeze3A_914, %dma_start3A_930] : memref<1000001x64xf32, #tpu.memory_space<hbm>> -> memref<1x64xf32, #tpu.memory_space<hbm>>
      %dma_start3A_932 = tpu.memref_squeeze %dma_start3A_931 : memref<1x64xf32, #tpu.memory_space<hbm>> -> memref<64xf32, #tpu.memory_space<hbm>>
      tpu.enqueue_dma source(%dma_start3A_932 : memref<64xf32, #tpu.memory_space<hbm>>) target(%dma_start3A_929 : memref<64xf32, #tpu.memory_space<vmem>>) target_semaphore(%arg7 : memref<!tpu.dma_semaphore, #tpu.memory_space<semaphore_mem>>)
      %slice3A_933 = vector.extract_strided_slice %get3A_672 {offsets = [13], sizes = [1], strides = [1]} : vector<16xi32> to vector<1xi32>
      %squeeze3A_934 = vector.extract %slice3A_933[0] : i32 from vector<1xi32>
      %mul3A_935 = arith.constant 64 : i32
      %mul3A_936 = arith.muli %scan3A_14, %mul3A_935 : i32
      %add3A_937 = arith.constant 32 : i32
      %add3A_938 = arith.addi %mul3A_936, %add3A_937 : i32
      %add3A_939 = arith.constant 13 : i32
      %add3A_940 = arith.addi %add3A_938, %add3A_939 : i32
      %dma_start3A_941 = arith.constant 0 : i32
      %dma_start3A_942 = tpu.memref_slice %arg6[%add3A_940, %dma_start3A_941] : memref<512x64xf32, #tpu.memory_space<vmem>> -> memref<1x64xf32, #tpu.memory_space<vmem>>
      %dma_start3A_943 = tpu.memref_squeeze %dma_start3A_942 : memref<1x64xf32, #tpu.memory_space<vmem>> -> memref<64xf32, #tpu.memory_space<vmem>>
      %dma_start3A_944 = arith.constant 0 : i32
      %dma_start3A_945 = tpu.memref_slice %arg2[%squeeze3A_934, %dma_start3A_944] : memref<1000001x64xf32, #tpu.memory_space<hbm>> -> memref<1x64xf32, #tpu.memory_space<hbm>>
      %dma_start3A_946 = tpu.memref_squeeze %dma_start3A_945 : memref<1x64xf32, #tpu.memory_space<hbm>> -> memref<64xf32, #tpu.memory_space<hbm>>
      %dma_start3A_947 = arith.constant 0 : i32
      %dma_start3A_948 = tpu.memref_slice %arg6[%add3A_940, %dma_start3A_947] : memref<512x64xf32, #tpu.memory_space<vmem>> -> memref<1x64xf32, #tpu.memory_space<vmem>>
      %dma_start3A_949 = tpu.memref_squeeze %dma_start3A_948 : memref<1x64xf32, #tpu.memory_space<vmem>> -> memref<64xf32, #tpu.memory_space<vmem>>
      %dma_start3A_950 = arith.constant 0 : i32
      %dma_start3A_951 = tpu.memref_slice %arg2[%squeeze3A_934, %dma_start3A_950] : memref<1000001x64xf32, #tpu.memory_space<hbm>> -> memref<1x64xf32, #tpu.memory_space<hbm>>
      %dma_start3A_952 = tpu.memref_squeeze %dma_start3A_951 : memref<1x64xf32, #tpu.memory_space<hbm>> -> memref<64xf32, #tpu.memory_space<hbm>>
      tpu.enqueue_dma source(%dma_start3A_952 : memref<64xf32, #tpu.memory_space<hbm>>) target(%dma_start3A_949 : memref<64xf32, #tpu.memory_space<vmem>>) target_semaphore(%arg7 : memref<!tpu.dma_semaphore, #tpu.memory_space<semaphore_mem>>)
      %slice3A_953 = vector.extract_strided_slice %get3A_672 {offsets = [14], sizes = [1], strides = [1]} : vector<16xi32> to vector<1xi32>
      %squeeze3A_954 = vector.extract %slice3A_953[0] : i32 from vector<1xi32>
      %mul3A_955 = arith.constant 64 : i32
      %mul3A_956 = arith.muli %scan3A_14, %mul3A_955 : i32
      %add3A_957 = arith.constant 32 : i32
      %add3A_958 = arith.addi %mul3A_956, %add3A_957 : i32
      %add3A_959 = arith.constant 14 : i32
      %add3A_960 = arith.addi %add3A_958, %add3A_959 : i32
      %dma_start3A_961 = arith.constant 0 : i32
      %dma_start3A_962 = tpu.memref_slice %arg6[%add3A_960, %dma_start3A_961] : memref<512x64xf32, #tpu.memory_space<vmem>> -> memref<1x64xf32, #tpu.memory_space<vmem>>
      %dma_start3A_963 = tpu.memref_squeeze %dma_start3A_962 : memref<1x64xf32, #tpu.memory_space<vmem>> -> memref<64xf32, #tpu.memory_space<vmem>>
      %dma_start3A_964 = arith.constant 0 : i32
      %dma_start3A_965 = tpu.memref_slice %arg2[%squeeze3A_954, %dma_start3A_964] : memref<1000001x64xf32, #tpu.memory_space<hbm>> -> memref<1x64xf32, #tpu.memory_space<hbm>>
      %dma_start3A_966 = tpu.memref_squeeze %dma_start3A_965 : memref<1x64xf32, #tpu.memory_space<hbm>> -> memref<64xf32, #tpu.memory_space<hbm>>
      %dma_start3A_967 = arith.constant 0 : i32
      %dma_start3A_968 = tpu.memref_slice %arg6[%add3A_960, %dma_start3A_967] : memref<512x64xf32, #tpu.memory_space<vmem>> -> memref<1x64xf32, #tpu.memory_space<vmem>>
      %dma_start3A_969 = tpu.memref_squeeze %dma_start3A_968 : memref<1x64xf32, #tpu.memory_space<vmem>> -> memref<64xf32, #tpu.memory_space<vmem>>
      %dma_start3A_970 = arith.constant 0 : i32
      %dma_start3A_971 = tpu.memref_slice %arg2[%squeeze3A_954, %dma_start3A_970] : memref<1000001x64xf32, #tpu.memory_space<hbm>> -> memref<1x64xf32, #tpu.memory_space<hbm>>
      %dma_start3A_972 = tpu.memref_squeeze %dma_start3A_971 : memref<1x64xf32, #tpu.memory_space<hbm>> -> memref<64xf32, #tpu.memory_space<hbm>>
      tpu.enqueue_dma source(%dma_start3A_972 : memref<64xf32, #tpu.memory_space<hbm>>) target(%dma_start3A_969 : memref<64xf32, #tpu.memory_space<vmem>>) target_semaphore(%arg7 : memref<!tpu.dma_semaphore, #tpu.memory_space<semaphore_mem>>)
      %slice3A_973 = vector.extract_strided_slice %get3A_672 {offsets = [15], sizes = [1], strides = [1]} : vector<16xi32> to vector<1xi32>
      %squeeze3A_974 = vector.extract %slice3A_973[0] : i32 from vector<1xi32>
      %mul3A_975 = arith.constant 64 : i32
      %mul3A_976 = arith.muli %scan3A_14, %mul3A_975 : i32
      %add3A_977 = arith.constant 32 : i32
      %add3A_978 = arith.addi %mul3A_976, %add3A_977 : i32
      %add3A_979 = arith.constant 15 : i32
      %add3A_980 = arith.addi %add3A_978, %add3A_979 : i32
      %dma_start3A_981 = arith.constant 0 : i32
      %dma_start3A_982 = tpu.memref_slice %arg6[%add3A_980, %dma_start3A_981] : memref<512x64xf32, #tpu.memory_space<vmem>> -> memref<1x64xf32, #tpu.memory_space<vmem>>
      %dma_start3A_983 = tpu.memref_squeeze %dma_start3A_982 : memref<1x64xf32, #tpu.memory_space<vmem>> -> memref<64xf32, #tpu.memory_space<vmem>>
      %dma_start3A_984 = arith.constant 0 : i32
      %dma_start3A_985 = tpu.memref_slice %arg2[%squeeze3A_974, %dma_start3A_984] : memref<1000001x64xf32, #tpu.memory_space<hbm>> -> memref<1x64xf32, #tpu.memory_space<hbm>>
      %dma_start3A_986 = tpu.memref_squeeze %dma_start3A_985 : memref<1x64xf32, #tpu.memory_space<hbm>> -> memref<64xf32, #tpu.memory_space<hbm>>
      %dma_start3A_987 = arith.constant 0 : i32
      %dma_start3A_988 = tpu.memref_slice %arg6[%add3A_980, %dma_start3A_987] : memref<512x64xf32, #tpu.memory_space<vmem>> -> memref<1x64xf32, #tpu.memory_space<vmem>>
      %dma_start3A_989 = tpu.memref_squeeze %dma_start3A_988 : memref<1x64xf32, #tpu.memory_space<vmem>> -> memref<64xf32, #tpu.memory_space<vmem>>
      %dma_start3A_990 = arith.constant 0 : i32
      %dma_start3A_991 = tpu.memref_slice %arg2[%squeeze3A_974, %dma_start3A_990] : memref<1000001x64xf32, #tpu.memory_space<hbm>> -> memref<1x64xf32, #tpu.memory_space<hbm>>
      %dma_start3A_992 = tpu.memref_squeeze %dma_start3A_991 : memref<1x64xf32, #tpu.memory_space<hbm>> -> memref<64xf32, #tpu.memory_space<hbm>>
      tpu.enqueue_dma source(%dma_start3A_992 : memref<64xf32, #tpu.memory_space<hbm>>) target(%dma_start3A_989 : memref<64xf32, #tpu.memory_space<vmem>>) target_semaphore(%arg7 : memref<!tpu.dma_semaphore, #tpu.memory_space<semaphore_mem>>)
      %mul3A_993 = arith.constant 64 : i32
      %mul3A_994 = arith.muli %scan3A_14, %mul3A_993 : i32
      %add3A_995 = arith.constant 48 : i32
      %add3A_996 = arith.addi %mul3A_994, %add3A_995 : i32
      %get3A_997 = arith.index_cast %add3A_996 : i32 to index
      %get3A_998 = tpu.vector_load %arg5[%get3A_997] {strides = array<i32>} : memref<512xi32, #tpu.memory_space<vmem>>, vector<16xi32>,
      %get3A_999 = vector.shape_cast %get3A_998 : vector<16xi32> to vector<16xi32>
      %slice3A_1000 = vector.extract_strided_slice %get3A_999 {offsets = [0], sizes = [1], strides = [1]} : vector<16xi32> to vector<1xi32>
      %squeeze3A_1001 = vector.extract %slice3A_1000[0] : i32 from vector<1xi32>
      %mul3A_1002 = arith.constant 64 : i32
      %mul3A_1003 = arith.muli %scan3A_14, %mul3A_1002 : i32
      %add3A_1004 = arith.constant 48 : i32
      %add3A_1005 = arith.addi %mul3A_1003, %add3A_1004 : i32
      %add3A_1006 = arith.constant 0 : i32
      %add3A_1007 = arith.addi %add3A_1005, %add3A_1006 : i32
      %dma_start3A_1008 = arith.constant 0 : i32
      %dma_start3A_1009 = tpu.memref_slice %arg6[%add3A_1007, %dma_start3A_1008] : memref<512x64xf32, #tpu.memory_space<vmem>> -> memref<1x64xf32, #tpu.memory_space<vmem>>
      %dma_start3A_1010 = tpu.memref_squeeze %dma_start3A_1009 : memref<1x64xf32, #tpu.memory_space<vmem>> -> memref<64xf32, #tpu.memory_space<vmem>>
      %dma_start3A_1011 = arith.constant 0 : i32
      %dma_start3A_1012 = tpu.memref_slice %arg2[%squeeze3A_1001, %dma_start3A_1011] : memref<1000001x64xf32, #tpu.memory_space<hbm>> -> memref<1x64xf32, #tpu.memory_space<hbm>>
      %dma_start3A_1013 = tpu.memref_squeeze %dma_start3A_1012 : memref<1x64xf32, #tpu.memory_space<hbm>> -> memref<64xf32, #tpu.memory_space<hbm>>
      %dma_start3A_1014 = arith.constant 0 : i32
      %dma_start3A_1015 = tpu.memref_slice %arg6[%add3A_1007, %dma_start3A_1014] : memref<512x64xf32, #tpu.memory_space<vmem>> -> memref<1x64xf32, #tpu.memory_space<vmem>>
      %dma_start3A_1016 = tpu.memref_squeeze %dma_start3A_1015 : memref<1x64xf32, #tpu.memory_space<vmem>> -> memref<64xf32, #tpu.memory_space<vmem>>
      %dma_start3A_1017 = arith.constant 0 : i32
      %dma_start3A_1018 = tpu.memref_slice %arg2[%squeeze3A_1001, %dma_start3A_1017] : memref<1000001x64xf32, #tpu.memory_space<hbm>> -> memref<1x64xf32, #tpu.memory_space<hbm>>
      %dma_start3A_1019 = tpu.memref_squeeze %dma_start3A_1018 : memref<1x64xf32, #tpu.memory_space<hbm>> -> memref<64xf32, #tpu.memory_space<hbm>>
      tpu.enqueue_dma source(%dma_start3A_1019 : memref<64xf32, #tpu.memory_space<hbm>>) target(%dma_start3A_1016 : memref<64xf32, #tpu.memory_space<vmem>>) target_semaphore(%arg7 : memref<!tpu.dma_semaphore, #tpu.memory_space<semaphore_mem>>)
      %slice3A_1020 = vector.extract_strided_slice %get3A_999 {offsets = [1], sizes = [1], strides = [1]} : vector<16xi32> to vector<1xi32>
      %squeeze3A_1021 = vector.extract %slice3A_1020[0] : i32 from vector<1xi32>
      %mul3A_1022 = arith.constant 64 : i32
      %mul3A_1023 = arith.muli %scan3A_14, %mul3A_1022 : i32
      %add3A_1024 = arith.constant 48 : i32
      %add3A_1025 = arith.addi %mul3A_1023, %add3A_1024 : i32
      %add3A_1026 = arith.constant 1 : i32
      %add3A_1027 = arith.addi %add3A_1025, %add3A_1026 : i32
      %dma_start3A_1028 = arith.constant 0 : i32
      %dma_start3A_1029 = tpu.memref_slice %arg6[%add3A_1027, %dma_start3A_1028] : memref<512x64xf32, #tpu.memory_space<vmem>> -> memref<1x64xf32, #tpu.memory_space<vmem>>
      %dma_start3A_1030 = tpu.memref_squeeze %dma_start3A_1029 : memref<1x64xf32, #tpu.memory_space<vmem>> -> memref<64xf32, #tpu.memory_space<vmem>>
      %dma_start3A_1031 = arith.constant 0 : i32
      %dma_start3A_1032 = tpu.memref_slice %arg2[%squeeze3A_1021, %dma_start3A_1031] : memref<1000001x64xf32, #tpu.memory_space<hbm>> -> memref<1x64xf32, #tpu.memory_space<hbm>>
      %dma_start3A_1033 = tpu.memref_squeeze %dma_start3A_1032 : memref<1x64xf32, #tpu.memory_space<hbm>> -> memref<64xf32, #tpu.memory_space<hbm>>
      %dma_start3A_1034 = arith.constant 0 : i32
      %dma_start3A_1035 = tpu.memref_slice %arg6[%add3A_1027, %dma_start3A_1034] : memref<512x64xf32, #tpu.memory_space<vmem>> -> memref<1x64xf32, #tpu.memory_space<vmem>>
      %dma_start3A_1036 = tpu.memref_squeeze %dma_start3A_1035 : memref<1x64xf32, #tpu.memory_space<vmem>> -> memref<64xf32, #tpu.memory_space<vmem>>
      %dma_start3A_1037 = arith.constant 0 : i32
      %dma_start3A_1038 = tpu.memref_slice %arg2[%squeeze3A_1021, %dma_start3A_1037] : memref<1000001x64xf32, #tpu.memory_space<hbm>> -> memref<1x64xf32, #tpu.memory_space<hbm>>
      %dma_start3A_1039 = tpu.memref_squeeze %dma_start3A_1038 : memref<1x64xf32, #tpu.memory_space<hbm>> -> memref<64xf32, #tpu.memory_space<hbm>>
      tpu.enqueue_dma source(%dma_start3A_1039 : memref<64xf32, #tpu.memory_space<hbm>>) target(%dma_start3A_1036 : memref<64xf32, #tpu.memory_space<vmem>>) target_semaphore(%arg7 : memref<!tpu.dma_semaphore, #tpu.memory_space<semaphore_mem>>)
      %slice3A_1040 = vector.extract_strided_slice %get3A_999 {offsets = [2], sizes = [1], strides = [1]} : vector<16xi32> to vector<1xi32>
      %squeeze3A_1041 = vector.extract %slice3A_1040[0] : i32 from vector<1xi32>
      %mul3A_1042 = arith.constant 64 : i32
      %mul3A_1043 = arith.muli %scan3A_14, %mul3A_1042 : i32
      %add3A_1044 = arith.constant 48 : i32
      %add3A_1045 = arith.addi %mul3A_1043, %add3A_1044 : i32
      %add3A_1046 = arith.constant 2 : i32
      %add3A_1047 = arith.addi %add3A_1045, %add3A_1046 : i32
      %dma_start3A_1048 = arith.constant 0 : i32
      %dma_start3A_1049 = tpu.memref_slice %arg6[%add3A_1047, %dma_start3A_1048] : memref<512x64xf32, #tpu.memory_space<vmem>> -> memref<1x64xf32, #tpu.memory_space<vmem>>
      %dma_start3A_1050 = tpu.memref_squeeze %dma_start3A_1049 : memref<1x64xf32, #tpu.memory_space<vmem>> -> memref<64xf32, #tpu.memory_space<vmem>>
      %dma_start3A_1051 = arith.constant 0 : i32
      %dma_start3A_1052 = tpu.memref_slice %arg2[%squeeze3A_1041, %dma_start3A_1051] : memref<1000001x64xf32, #tpu.memory_space<hbm>> -> memref<1x64xf32, #tpu.memory_space<hbm>>
      %dma_start3A_1053 = tpu.memref_squeeze %dma_start3A_1052 : memref<1x64xf32, #tpu.memory_space<hbm>> -> memref<64xf32, #tpu.memory_space<hbm>>
      %dma_start3A_1054 = arith.constant 0 : i32
      %dma_start3A_1055 = tpu.memref_slice %arg6[%add3A_1047, %dma_start3A_1054] : memref<512x64xf32, #tpu.memory_space<vmem>> -> memref<1x64xf32, #tpu.memory_space<vmem>>
      %dma_start3A_1056 = tpu.memref_squeeze %dma_start3A_1055 : memref<1x64xf32, #tpu.memory_space<vmem>> -> memref<64xf32, #tpu.memory_space<vmem>>
      %dma_start3A_1057 = arith.constant 0 : i32
      %dma_start3A_1058 = tpu.memref_slice %arg2[%squeeze3A_1041, %dma_start3A_1057] : memref<1000001x64xf32, #tpu.memory_space<hbm>> -> memref<1x64xf32, #tpu.memory_space<hbm>>
      %dma_start3A_1059 = tpu.memref_squeeze %dma_start3A_1058 : memref<1x64xf32, #tpu.memory_space<hbm>> -> memref<64xf32, #tpu.memory_space<hbm>>
      tpu.enqueue_dma source(%dma_start3A_1059 : memref<64xf32, #tpu.memory_space<hbm>>) target(%dma_start3A_1056 : memref<64xf32, #tpu.memory_space<vmem>>) target_semaphore(%arg7 : memref<!tpu.dma_semaphore, #tpu.memory_space<semaphore_mem>>)
      %slice3A_1060 = vector.extract_strided_slice %get3A_999 {offsets = [3], sizes = [1], strides = [1]} : vector<16xi32> to vector<1xi32>
      %squeeze3A_1061 = vector.extract %slice3A_1060[0] : i32 from vector<1xi32>
      %mul3A_1062 = arith.constant 64 : i32
      %mul3A_1063 = arith.muli %scan3A_14, %mul3A_1062 : i32
      %add3A_1064 = arith.constant 48 : i32
      %add3A_1065 = arith.addi %mul3A_1063, %add3A_1064 : i32
      %add3A_1066 = arith.constant 3 : i32
      %add3A_1067 = arith.addi %add3A_1065, %add3A_1066 : i32
      %dma_start3A_1068 = arith.constant 0 : i32
      %dma_start3A_1069 = tpu.memref_slice %arg6[%add3A_1067, %dma_start3A_1068] : memref<512x64xf32, #tpu.memory_space<vmem>> -> memref<1x64xf32, #tpu.memory_space<vmem>>
      %dma_start3A_1070 = tpu.memref_squeeze %dma_start3A_1069 : memref<1x64xf32, #tpu.memory_space<vmem>> -> memref<64xf32, #tpu.memory_space<vmem>>
      %dma_start3A_1071 = arith.constant 0 : i32
      %dma_start3A_1072 = tpu.memref_slice %arg2[%squeeze3A_1061, %dma_start3A_1071] : memref<1000001x64xf32, #tpu.memory_space<hbm>> -> memref<1x64xf32, #tpu.memory_space<hbm>>
      %dma_start3A_1073 = tpu.memref_squeeze %dma_start3A_1072 : memref<1x64xf32, #tpu.memory_space<hbm>> -> memref<64xf32, #tpu.memory_space<hbm>>
      %dma_start3A_1074 = arith.constant 0 : i32
      %dma_start3A_1075 = tpu.memref_slice %arg6[%add3A_1067, %dma_start3A_1074] : memref<512x64xf32, #tpu.memory_space<vmem>> -> memref<1x64xf32, #tpu.memory_space<vmem>>
      %dma_start3A_1076 = tpu.memref_squeeze %dma_start3A_1075 : memref<1x64xf32, #tpu.memory_space<vmem>> -> memref<64xf32, #tpu.memory_space<vmem>>
      %dma_start3A_1077 = arith.constant 0 : i32
      %dma_start3A_1078 = tpu.memref_slice %arg2[%squeeze3A_1061, %dma_start3A_1077] : memref<1000001x64xf32, #tpu.memory_space<hbm>> -> memref<1x64xf32, #tpu.memory_space<hbm>>
      %dma_start3A_1079 = tpu.memref_squeeze %dma_start3A_1078 : memref<1x64xf32, #tpu.memory_space<hbm>> -> memref<64xf32, #tpu.memory_space<hbm>>
      tpu.enqueue_dma source(%dma_start3A_1079 : memref<64xf32, #tpu.memory_space<hbm>>) target(%dma_start3A_1076 : memref<64xf32, #tpu.memory_space<vmem>>) target_semaphore(%arg7 : memref<!tpu.dma_semaphore, #tpu.memory_space<semaphore_mem>>)
      %slice3A_1080 = vector.extract_strided_slice %get3A_999 {offsets = [4], sizes = [1], strides = [1]} : vector<16xi32> to vector<1xi32>
      %squeeze3A_1081 = vector.extract %slice3A_1080[0] : i32 from vector<1xi32>
      %mul3A_1082 = arith.constant 64 : i32
      %mul3A_1083 = arith.muli %scan3A_14, %mul3A_1082 : i32
      %add3A_1084 = arith.constant 48 : i32
      %add3A_1085 = arith.addi %mul3A_1083, %add3A_1084 : i32
      %add3A_1086 = arith.constant 4 : i32
      %add3A_1087 = arith.addi %add3A_1085, %add3A_1086 : i32
      %dma_start3A_1088 = arith.constant 0 : i32
      %dma_start3A_1089 = tpu.memref_slice %arg6[%add3A_1087, %dma_start3A_1088] : memref<512x64xf32, #tpu.memory_space<vmem>> -> memref<1x64xf32, #tpu.memory_space<vmem>>
      %dma_start3A_1090 = tpu.memref_squeeze %dma_start3A_1089 : memref<1x64xf32, #tpu.memory_space<vmem>> -> memref<64xf32, #tpu.memory_space<vmem>>
      %dma_start3A_1091 = arith.constant 0 : i32
      %dma_start3A_1092 = tpu.memref_slice %arg2[%squeeze3A_1081, %dma_start3A_1091] : memref<1000001x64xf32, #tpu.memory_space<hbm>> -> memref<1x64xf32, #tpu.memory_space<hbm>>
      %dma_start3A_1093 = tpu.memref_squeeze %dma_start3A_1092 : memref<1x64xf32, #tpu.memory_space<hbm>> -> memref<64xf32, #tpu.memory_space<hbm>>
      %dma_start3A_1094 = arith.constant 0 : i32
      %dma_start3A_1095 = tpu.memref_slice %arg6[%add3A_1087, %dma_start3A_1094] : memref<512x64xf32, #tpu.memory_space<vmem>> -> memref<1x64xf32, #tpu.memory_space<vmem>>
      %dma_start3A_1096 = tpu.memref_squeeze %dma_start3A_1095 : memref<1x64xf32, #tpu.memory_space<vmem>> -> memref<64xf32, #tpu.memory_space<vmem>>
      %dma_start3A_1097 = arith.constant 0 : i32
      %dma_start3A_1098 = tpu.memref_slice %arg2[%squeeze3A_1081, %dma_start3A_1097] : memref<1000001x64xf32, #tpu.memory_space<hbm>> -> memref<1x64xf32, #tpu.memory_space<hbm>>
      %dma_start3A_1099 = tpu.memref_squeeze %dma_start3A_1098 : memref<1x64xf32, #tpu.memory_space<hbm>> -> memref<64xf32, #tpu.memory_space<hbm>>
      tpu.enqueue_dma source(%dma_start3A_1099 : memref<64xf32, #tpu.memory_space<hbm>>) target(%dma_start3A_1096 : memref<64xf32, #tpu.memory_space<vmem>>) target_semaphore(%arg7 : memref<!tpu.dma_semaphore, #tpu.memory_space<semaphore_mem>>)
      %slice3A_1100 = vector.extract_strided_slice %get3A_999 {offsets = [5], sizes = [1], strides = [1]} : vector<16xi32> to vector<1xi32>
      %squeeze3A_1101 = vector.extract %slice3A_1100[0] : i32 from vector<1xi32>
      %mul3A_1102 = arith.constant 64 : i32
      %mul3A_1103 = arith.muli %scan3A_14, %mul3A_1102 : i32
      %add3A_1104 = arith.constant 48 : i32
      %add3A_1105 = arith.addi %mul3A_1103, %add3A_1104 : i32
      %add3A_1106 = arith.constant 5 : i32
      %add3A_1107 = arith.addi %add3A_1105, %add3A_1106 : i32
      %dma_start3A_1108 = arith.constant 0 : i32
      %dma_start3A_1109 = tpu.memref_slice %arg6[%add3A_1107, %dma_start3A_1108] : memref<512x64xf32, #tpu.memory_space<vmem>> -> memref<1x64xf32, #tpu.memory_space<vmem>>
      %dma_start3A_1110 = tpu.memref_squeeze %dma_start3A_1109 : memref<1x64xf32, #tpu.memory_space<vmem>> -> memref<64xf32, #tpu.memory_space<vmem>>
      %dma_start3A_1111 = arith.constant 0 : i32
      %dma_start3A_1112 = tpu.memref_slice %arg2[%squeeze3A_1101, %dma_start3A_1111] : memref<1000001x64xf32, #tpu.memory_space<hbm>> -> memref<1x64xf32, #tpu.memory_space<hbm>>
      %dma_start3A_1113 = tpu.memref_squeeze %dma_start3A_1112 : memref<1x64xf32, #tpu.memory_space<hbm>> -> memref<64xf32, #tpu.memory_space<hbm>>
      %dma_start3A_1114 = arith.constant 0 : i32
      %dma_start3A_1115 = tpu.memref_slice %arg6[%add3A_1107, %dma_start3A_1114] : memref<512x64xf32, #tpu.memory_space<vmem>> -> memref<1x64xf32, #tpu.memory_space<vmem>>
      %dma_start3A_1116 = tpu.memref_squeeze %dma_start3A_1115 : memref<1x64xf32, #tpu.memory_space<vmem>> -> memref<64xf32, #tpu.memory_space<vmem>>
      %dma_start3A_1117 = arith.constant 0 : i32
      %dma_start3A_1118 = tpu.memref_slice %arg2[%squeeze3A_1101, %dma_start3A_1117] : memref<1000001x64xf32, #tpu.memory_space<hbm>> -> memref<1x64xf32, #tpu.memory_space<hbm>>
      %dma_start3A_1119 = tpu.memref_squeeze %dma_start3A_1118 : memref<1x64xf32, #tpu.memory_space<hbm>> -> memref<64xf32, #tpu.memory_space<hbm>>
      tpu.enqueue_dma source(%dma_start3A_1119 : memref<64xf32, #tpu.memory_space<hbm>>) target(%dma_start3A_1116 : memref<64xf32, #tpu.memory_space<vmem>>) target_semaphore(%arg7 : memref<!tpu.dma_semaphore, #tpu.memory_space<semaphore_mem>>)
      %slice3A_1120 = vector.extract_strided_slice %get3A_999 {offsets = [6], sizes = [1], strides = [1]} : vector<16xi32> to vector<1xi32>
      %squeeze3A_1121 = vector.extract %slice3A_1120[0] : i32 from vector<1xi32>
      %mul3A_1122 = arith.constant 64 : i32
      %mul3A_1123 = arith.muli %scan3A_14, %mul3A_1122 : i32
      %add3A_1124 = arith.constant 48 : i32
      %add3A_1125 = arith.addi %mul3A_1123, %add3A_1124 : i32
      %add3A_1126 = arith.constant 6 : i32
      %add3A_1127 = arith.addi %add3A_1125, %add3A_1126 : i32
      %dma_start3A_1128 = arith.constant 0 : i32
      %dma_start3A_1129 = tpu.memref_slice %arg6[%add3A_1127, %dma_start3A_1128] : memref<512x64xf32, #tpu.memory_space<vmem>> -> memref<1x64xf32, #tpu.memory_space<vmem>>
      %dma_start3A_1130 = tpu.memref_squeeze %dma_start3A_1129 : memref<1x64xf32, #tpu.memory_space<vmem>> -> memref<64xf32, #tpu.memory_space<vmem>>
      %dma_start3A_1131 = arith.constant 0 : i32
      %dma_start3A_1132 = tpu.memref_slice %arg2[%squeeze3A_1121, %dma_start3A_1131] : memref<1000001x64xf32, #tpu.memory_space<hbm>> -> memref<1x64xf32, #tpu.memory_space<hbm>>
      %dma_start3A_1133 = tpu.memref_squeeze %dma_start3A_1132 : memref<1x64xf32, #tpu.memory_space<hbm>> -> memref<64xf32, #tpu.memory_space<hbm>>
      %dma_start3A_1134 = arith.constant 0 : i32
      %dma_start3A_1135 = tpu.memref_slice %arg6[%add3A_1127, %dma_start3A_1134] : memref<512x64xf32, #tpu.memory_space<vmem>> -> memref<1x64xf32, #tpu.memory_space<vmem>>
      %dma_start3A_1136 = tpu.memref_squeeze %dma_start3A_1135 : memref<1x64xf32, #tpu.memory_space<vmem>> -> memref<64xf32, #tpu.memory_space<vmem>>
      %dma_start3A_1137 = arith.constant 0 : i32
      %dma_start3A_1138 = tpu.memref_slice %arg2[%squeeze3A_1121, %dma_start3A_1137] : memref<1000001x64xf32, #tpu.memory_space<hbm>> -> memref<1x64xf32, #tpu.memory_space<hbm>>
      %dma_start3A_1139 = tpu.memref_squeeze %dma_start3A_1138 : memref<1x64xf32, #tpu.memory_space<hbm>> -> memref<64xf32, #tpu.memory_space<hbm>>
      tpu.enqueue_dma source(%dma_start3A_1139 : memref<64xf32, #tpu.memory_space<hbm>>) target(%dma_start3A_1136 : memref<64xf32, #tpu.memory_space<vmem>>) target_semaphore(%arg7 : memref<!tpu.dma_semaphore, #tpu.memory_space<semaphore_mem>>)
      %slice3A_1140 = vector.extract_strided_slice %get3A_999 {offsets = [7], sizes = [1], strides = [1]} : vector<16xi32> to vector<1xi32>
      %squeeze3A_1141 = vector.extract %slice3A_1140[0] : i32 from vector<1xi32>
      %mul3A_1142 = arith.constant 64 : i32
      %mul3A_1143 = arith.muli %scan3A_14, %mul3A_1142 : i32
      %add3A_1144 = arith.constant 48 : i32
      %add3A_1145 = arith.addi %mul3A_1143, %add3A_1144 : i32
      %add3A_1146 = arith.constant 7 : i32
      %add3A_1147 = arith.addi %add3A_1145, %add3A_1146 : i32
      %dma_start3A_1148 = arith.constant 0 : i32
      %dma_start3A_1149 = tpu.memref_slice %arg6[%add3A_1147, %dma_start3A_1148] : memref<512x64xf32, #tpu.memory_space<vmem>> -> memref<1x64xf32, #tpu.memory_space<vmem>>
      %dma_start3A_1150 = tpu.memref_squeeze %dma_start3A_1149 : memref<1x64xf32, #tpu.memory_space<vmem>> -> memref<64xf32, #tpu.memory_space<vmem>>
      %dma_start3A_1151 = arith.constant 0 : i32
      %dma_start3A_1152 = tpu.memref_slice %arg2[%squeeze3A_1141, %dma_start3A_1151] : memref<1000001x64xf32, #tpu.memory_space<hbm>> -> memref<1x64xf32, #tpu.memory_space<hbm>>
      %dma_start3A_1153 = tpu.memref_squeeze %dma_start3A_1152 : memref<1x64xf32, #tpu.memory_space<hbm>> -> memref<64xf32, #tpu.memory_space<hbm>>
      %dma_start3A_1154 = arith.constant 0 : i32
      %dma_start3A_1155 = tpu.memref_slice %arg6[%add3A_1147, %dma_start3A_1154] : memref<512x64xf32, #tpu.memory_space<vmem>> -> memref<1x64xf32, #tpu.memory_space<vmem>>
      %dma_start3A_1156 = tpu.memref_squeeze %dma_start3A_1155 : memref<1x64xf32, #tpu.memory_space<vmem>> -> memref<64xf32, #tpu.memory_space<vmem>>
      %dma_start3A_1157 = arith.constant 0 : i32
      %dma_start3A_1158 = tpu.memref_slice %arg2[%squeeze3A_1141, %dma_start3A_1157] : memref<1000001x64xf32, #tpu.memory_space<hbm>> -> memref<1x64xf32, #tpu.memory_space<hbm>>
      %dma_start3A_1159 = tpu.memref_squeeze %dma_start3A_1158 : memref<1x64xf32, #tpu.memory_space<hbm>> -> memref<64xf32, #tpu.memory_space<hbm>>
      tpu.enqueue_dma source(%dma_start3A_1159 : memref<64xf32, #tpu.memory_space<hbm>>) target(%dma_start3A_1156 : memref<64xf32, #tpu.memory_space<vmem>>) target_semaphore(%arg7 : memref<!tpu.dma_semaphore, #tpu.memory_space<semaphore_mem>>)
      %slice3A_1160 = vector.extract_strided_slice %get3A_999 {offsets = [8], sizes = [1], strides = [1]} : vector<16xi32> to vector<1xi32>
      %squeeze3A_1161 = vector.extract %slice3A_1160[0] : i32 from vector<1xi32>
      %mul3A_1162 = arith.constant 64 : i32
      %mul3A_1163 = arith.muli %scan3A_14, %mul3A_1162 : i32
      %add3A_1164 = arith.constant 48 : i32
      %add3A_1165 = arith.addi %mul3A_1163, %add3A_1164 : i32
      %add3A_1166 = arith.constant 8 : i32
      %add3A_1167 = arith.addi %add3A_1165, %add3A_1166 : i32
      %dma_start3A_1168 = arith.constant 0 : i32
      %dma_start3A_1169 = tpu.memref_slice %arg6[%add3A_1167, %dma_start3A_1168] : memref<512x64xf32, #tpu.memory_space<vmem>> -> memref<1x64xf32, #tpu.memory_space<vmem>>
      %dma_start3A_1170 = tpu.memref_squeeze %dma_start3A_1169 : memref<1x64xf32, #tpu.memory_space<vmem>> -> memref<64xf32, #tpu.memory_space<vmem>>
      %dma_start3A_1171 = arith.constant 0 : i32
      %dma_start3A_1172 = tpu.memref_slice %arg2[%squeeze3A_1161, %dma_start3A_1171] : memref<1000001x64xf32, #tpu.memory_space<hbm>> -> memref<1x64xf32, #tpu.memory_space<hbm>>
      %dma_start3A_1173 = tpu.memref_squeeze %dma_start3A_1172 : memref<1x64xf32, #tpu.memory_space<hbm>> -> memref<64xf32, #tpu.memory_space<hbm>>
      %dma_start3A_1174 = arith.constant 0 : i32
      %dma_start3A_1175 = tpu.memref_slice %arg6[%add3A_1167, %dma_start3A_1174] : memref<512x64xf32, #tpu.memory_space<vmem>> -> memref<1x64xf32, #tpu.memory_space<vmem>>
      %dma_start3A_1176 = tpu.memref_squeeze %dma_start3A_1175 : memref<1x64xf32, #tpu.memory_space<vmem>> -> memref<64xf32, #tpu.memory_space<vmem>>
      %dma_start3A_1177 = arith.constant 0 : i32
      %dma_start3A_1178 = tpu.memref_slice %arg2[%squeeze3A_1161, %dma_start3A_1177] : memref<1000001x64xf32, #tpu.memory_space<hbm>> -> memref<1x64xf32, #tpu.memory_space<hbm>>
      %dma_start3A_1179 = tpu.memref_squeeze %dma_start3A_1178 : memref<1x64xf32, #tpu.memory_space<hbm>> -> memref<64xf32, #tpu.memory_space<hbm>>
      tpu.enqueue_dma source(%dma_start3A_1179 : memref<64xf32, #tpu.memory_space<hbm>>) target(%dma_start3A_1176 : memref<64xf32, #tpu.memory_space<vmem>>) target_semaphore(%arg7 : memref<!tpu.dma_semaphore, #tpu.memory_space<semaphore_mem>>)
      %slice3A_1180 = vector.extract_strided_slice %get3A_999 {offsets = [9], sizes = [1], strides = [1]} : vector<16xi32> to vector<1xi32>
      %squeeze3A_1181 = vector.extract %slice3A_1180[0] : i32 from vector<1xi32>
      %mul3A_1182 = arith.constant 64 : i32
      %mul3A_1183 = arith.muli %scan3A_14, %mul3A_1182 : i32
      %add3A_1184 = arith.constant 48 : i32
      %add3A_1185 = arith.addi %mul3A_1183, %add3A_1184 : i32
      %add3A_1186 = arith.constant 9 : i32
      %add3A_1187 = arith.addi %add3A_1185, %add3A_1186 : i32
      %dma_start3A_1188 = arith.constant 0 : i32
      %dma_start3A_1189 = tpu.memref_slice %arg6[%add3A_1187, %dma_start3A_1188] : memref<512x64xf32, #tpu.memory_space<vmem>> -> memref<1x64xf32, #tpu.memory_space<vmem>>
      %dma_start3A_1190 = tpu.memref_squeeze %dma_start3A_1189 : memref<1x64xf32, #tpu.memory_space<vmem>> -> memref<64xf32, #tpu.memory_space<vmem>>
      %dma_start3A_1191 = arith.constant 0 : i32
      %dma_start3A_1192 = tpu.memref_slice %arg2[%squeeze3A_1181, %dma_start3A_1191] : memref<1000001x64xf32, #tpu.memory_space<hbm>> -> memref<1x64xf32, #tpu.memory_space<hbm>>
      %dma_start3A_1193 = tpu.memref_squeeze %dma_start3A_1192 : memref<1x64xf32, #tpu.memory_space<hbm>> -> memref<64xf32, #tpu.memory_space<hbm>>
      %dma_start3A_1194 = arith.constant 0 : i32
      %dma_start3A_1195 = tpu.memref_slice %arg6[%add3A_1187, %dma_start3A_1194] : memref<512x64xf32, #tpu.memory_space<vmem>> -> memref<1x64xf32, #tpu.memory_space<vmem>>
      %dma_start3A_1196 = tpu.memref_squeeze %dma_start3A_1195 : memref<1x64xf32, #tpu.memory_space<vmem>> -> memref<64xf32, #tpu.memory_space<vmem>>
      %dma_start3A_1197 = arith.constant 0 : i32
      %dma_start3A_1198 = tpu.memref_slice %arg2[%squeeze3A_1181, %dma_start3A_1197] : memref<1000001x64xf32, #tpu.memory_space<hbm>> -> memref<1x64xf32, #tpu.memory_space<hbm>>
      %dma_start3A_1199 = tpu.memref_squeeze %dma_start3A_1198 : memref<1x64xf32, #tpu.memory_space<hbm>> -> memref<64xf32, #tpu.memory_space<hbm>>
      tpu.enqueue_dma source(%dma_start3A_1199 : memref<64xf32, #tpu.memory_space<hbm>>) target(%dma_start3A_1196 : memref<64xf32, #tpu.memory_space<vmem>>) target_semaphore(%arg7 : memref<!tpu.dma_semaphore, #tpu.memory_space<semaphore_mem>>)
      %slice3A_1200 = vector.extract_strided_slice %get3A_999 {offsets = [10], sizes = [1], strides = [1]} : vector<16xi32> to vector<1xi32>
      %squeeze3A_1201 = vector.extract %slice3A_1200[0] : i32 from vector<1xi32>
      %mul3A_1202 = arith.constant 64 : i32
      %mul3A_1203 = arith.muli %scan3A_14, %mul3A_1202 : i32
      %add3A_1204 = arith.constant 48 : i32
      %add3A_1205 = arith.addi %mul3A_1203, %add3A_1204 : i32
      %add3A_1206 = arith.constant 10 : i32
      %add3A_1207 = arith.addi %add3A_1205, %add3A_1206 : i32
      %dma_start3A_1208 = arith.constant 0 : i32
      %dma_start3A_1209 = tpu.memref_slice %arg6[%add3A_1207, %dma_start3A_1208] : memref<512x64xf32, #tpu.memory_space<vmem>> -> memref<1x64xf32, #tpu.memory_space<vmem>>
      %dma_start3A_1210 = tpu.memref_squeeze %dma_start3A_1209 : memref<1x64xf32, #tpu.memory_space<vmem>> -> memref<64xf32, #tpu.memory_space<vmem>>
      %dma_start3A_1211 = arith.constant 0 : i32
      %dma_start3A_1212 = tpu.memref_slice %arg2[%squeeze3A_1201, %dma_start3A_1211] : memref<1000001x64xf32, #tpu.memory_space<hbm>> -> memref<1x64xf32, #tpu.memory_space<hbm>>
      %dma_start3A_1213 = tpu.memref_squeeze %dma_start3A_1212 : memref<1x64xf32, #tpu.memory_space<hbm>> -> memref<64xf32, #tpu.memory_space<hbm>>
      %dma_start3A_1214 = arith.constant 0 : i32
      %dma_start3A_1215 = tpu.memref_slice %arg6[%add3A_1207, %dma_start3A_1214] : memref<512x64xf32, #tpu.memory_space<vmem>> -> memref<1x64xf32, #tpu.memory_space<vmem>>
      %dma_start3A_1216 = tpu.memref_squeeze %dma_start3A_1215 : memref<1x64xf32, #tpu.memory_space<vmem>> -> memref<64xf32, #tpu.memory_space<vmem>>
      %dma_start3A_1217 = arith.constant 0 : i32
      %dma_start3A_1218 = tpu.memref_slice %arg2[%squeeze3A_1201, %dma_start3A_1217] : memref<1000001x64xf32, #tpu.memory_space<hbm>> -> memref<1x64xf32, #tpu.memory_space<hbm>>
      %dma_start3A_1219 = tpu.memref_squeeze %dma_start3A_1218 : memref<1x64xf32, #tpu.memory_space<hbm>> -> memref<64xf32, #tpu.memory_space<hbm>>
      tpu.enqueue_dma source(%dma_start3A_1219 : memref<64xf32, #tpu.memory_space<hbm>>) target(%dma_start3A_1216 : memref<64xf32, #tpu.memory_space<vmem>>) target_semaphore(%arg7 : memref<!tpu.dma_semaphore, #tpu.memory_space<semaphore_mem>>)
      %slice3A_1220 = vector.extract_strided_slice %get3A_999 {offsets = [11], sizes = [1], strides = [1]} : vector<16xi32> to vector<1xi32>
      %squeeze3A_1221 = vector.extract %slice3A_1220[0] : i32 from vector<1xi32>
      %mul3A_1222 = arith.constant 64 : i32
      %mul3A_1223 = arith.muli %scan3A_14, %mul3A_1222 : i32
      %add3A_1224 = arith.constant 48 : i32
      %add3A_1225 = arith.addi %mul3A_1223, %add3A_1224 : i32
      %add3A_1226 = arith.constant 11 : i32
      %add3A_1227 = arith.addi %add3A_1225, %add3A_1226 : i32
      %dma_start3A_1228 = arith.constant 0 : i32
      %dma_start3A_1229 = tpu.memref_slice %arg6[%add3A_1227, %dma_start3A_1228] : memref<512x64xf32, #tpu.memory_space<vmem>> -> memref<1x64xf32, #tpu.memory_space<vmem>>
      %dma_start3A_1230 = tpu.memref_squeeze %dma_start3A_1229 : memref<1x64xf32, #tpu.memory_space<vmem>> -> memref<64xf32, #tpu.memory_space<vmem>>
      %dma_start3A_1231 = arith.constant 0 : i32
      %dma_start3A_1232 = tpu.memref_slice %arg2[%squeeze3A_1221, %dma_start3A_1231] : memref<1000001x64xf32, #tpu.memory_space<hbm>> -> memref<1x64xf32, #tpu.memory_space<hbm>>
      %dma_start3A_1233 = tpu.memref_squeeze %dma_start3A_1232 : memref<1x64xf32, #tpu.memory_space<hbm>> -> memref<64xf32, #tpu.memory_space<hbm>>
      %dma_start3A_1234 = arith.constant 0 : i32
      %dma_start3A_1235 = tpu.memref_slice %arg6[%add3A_1227, %dma_start3A_1234] : memref<512x64xf32, #tpu.memory_space<vmem>> -> memref<1x64xf32, #tpu.memory_space<vmem>>
      %dma_start3A_1236 = tpu.memref_squeeze %dma_start3A_1235 : memref<1x64xf32, #tpu.memory_space<vmem>> -> memref<64xf32, #tpu.memory_space<vmem>>
      %dma_start3A_1237 = arith.constant 0 : i32
      %dma_start3A_1238 = tpu.memref_slice %arg2[%squeeze3A_1221, %dma_start3A_1237] : memref<1000001x64xf32, #tpu.memory_space<hbm>> -> memref<1x64xf32, #tpu.memory_space<hbm>>
      %dma_start3A_1239 = tpu.memref_squeeze %dma_start3A_1238 : memref<1x64xf32, #tpu.memory_space<hbm>> -> memref<64xf32, #tpu.memory_space<hbm>>
      tpu.enqueue_dma source(%dma_start3A_1239 : memref<64xf32, #tpu.memory_space<hbm>>) target(%dma_start3A_1236 : memref<64xf32, #tpu.memory_space<vmem>>) target_semaphore(%arg7 : memref<!tpu.dma_semaphore, #tpu.memory_space<semaphore_mem>>)
      %slice3A_1240 = vector.extract_strided_slice %get3A_999 {offsets = [12], sizes = [1], strides = [1]} : vector<16xi32> to vector<1xi32>
      %squeeze3A_1241 = vector.extract %slice3A_1240[0] : i32 from vector<1xi32>
      %mul3A_1242 = arith.constant 64 : i32
      %mul3A_1243 = arith.muli %scan3A_14, %mul3A_1242 : i32
      %add3A_1244 = arith.constant 48 : i32
      %add3A_1245 = arith.addi %mul3A_1243, %add3A_1244 : i32
      %add3A_1246 = arith.constant 12 : i32
      %add3A_1247 = arith.addi %add3A_1245, %add3A_1246 : i32
      %dma_start3A_1248 = arith.constant 0 : i32
      %dma_start3A_1249 = tpu.memref_slice %arg6[%add3A_1247, %dma_start3A_1248] : memref<512x64xf32, #tpu.memory_space<vmem>> -> memref<1x64xf32, #tpu.memory_space<vmem>>
      %dma_start3A_1250 = tpu.memref_squeeze %dma_start3A_1249 : memref<1x64xf32, #tpu.memory_space<vmem>> -> memref<64xf32, #tpu.memory_space<vmem>>
      %dma_start3A_1251 = arith.constant 0 : i32
      %dma_start3A_1252 = tpu.memref_slice %arg2[%squeeze3A_1241, %dma_start3A_1251] : memref<1000001x64xf32, #tpu.memory_space<hbm>> -> memref<1x64xf32, #tpu.memory_space<hbm>>
      %dma_start3A_1253 = tpu.memref_squeeze %dma_start3A_1252 : memref<1x64xf32, #tpu.memory_space<hbm>> -> memref<64xf32, #tpu.memory_space<hbm>>
      %dma_start3A_1254 = arith.constant 0 : i32
      %dma_start3A_1255 = tpu.memref_slice %arg6[%add3A_1247, %dma_start3A_1254] : memref<512x64xf32, #tpu.memory_space<vmem>> -> memref<1x64xf32, #tpu.memory_space<vmem>>
      %dma_start3A_1256 = tpu.memref_squeeze %dma_start3A_1255 : memref<1x64xf32, #tpu.memory_space<vmem>> -> memref<64xf32, #tpu.memory_space<vmem>>
      %dma_start3A_1257 = arith.constant 0 : i32
      %dma_start3A_1258 = tpu.memref_slice %arg2[%squeeze3A_1241, %dma_start3A_1257] : memref<1000001x64xf32, #tpu.memory_space<hbm>> -> memref<1x64xf32, #tpu.memory_space<hbm>>
      %dma_start3A_1259 = tpu.memref_squeeze %dma_start3A_1258 : memref<1x64xf32, #tpu.memory_space<hbm>> -> memref<64xf32, #tpu.memory_space<hbm>>
      tpu.enqueue_dma source(%dma_start3A_1259 : memref<64xf32, #tpu.memory_space<hbm>>) target(%dma_start3A_1256 : memref<64xf32, #tpu.memory_space<vmem>>) target_semaphore(%arg7 : memref<!tpu.dma_semaphore, #tpu.memory_space<semaphore_mem>>)
      %slice3A_1260 = vector.extract_strided_slice %get3A_999 {offsets = [13], sizes = [1], strides = [1]} : vector<16xi32> to vector<1xi32>
      %squeeze3A_1261 = vector.extract %slice3A_1260[0] : i32 from vector<1xi32>
      %mul3A_1262 = arith.constant 64 : i32
      %mul3A_1263 = arith.muli %scan3A_14, %mul3A_1262 : i32
      %add3A_1264 = arith.constant 48 : i32
      %add3A_1265 = arith.addi %mul3A_1263, %add3A_1264 : i32
      %add3A_1266 = arith.constant 13 : i32
      %add3A_1267 = arith.addi %add3A_1265, %add3A_1266 : i32
      %dma_start3A_1268 = arith.constant 0 : i32
      %dma_start3A_1269 = tpu.memref_slice %arg6[%add3A_1267, %dma_start3A_1268] : memref<512x64xf32, #tpu.memory_space<vmem>> -> memref<1x64xf32, #tpu.memory_space<vmem>>
      %dma_start3A_1270 = tpu.memref_squeeze %dma_start3A_1269 : memref<1x64xf32, #tpu.memory_space<vmem>> -> memref<64xf32, #tpu.memory_space<vmem>>
      %dma_start3A_1271 = arith.constant 0 : i32
      %dma_start3A_1272 = tpu.memref_slice %arg2[%squeeze3A_1261, %dma_start3A_1271] : memref<1000001x64xf32, #tpu.memory_space<hbm>> -> memref<1x64xf32, #tpu.memory_space<hbm>>
      %dma_start3A_1273 = tpu.memref_squeeze %dma_start3A_1272 : memref<1x64xf32, #tpu.memory_space<hbm>> -> memref<64xf32, #tpu.memory_space<hbm>>
      %dma_start3A_1274 = arith.constant 0 : i32
      %dma_start3A_1275 = tpu.memref_slice %arg6[%add3A_1267, %dma_start3A_1274] : memref<512x64xf32, #tpu.memory_space<vmem>> -> memref<1x64xf32, #tpu.memory_space<vmem>>
      %dma_start3A_1276 = tpu.memref_squeeze %dma_start3A_1275 : memref<1x64xf32, #tpu.memory_space<vmem>> -> memref<64xf32, #tpu.memory_space<vmem>>
      %dma_start3A_1277 = arith.constant 0 : i32
      %dma_start3A_1278 = tpu.memref_slice %arg2[%squeeze3A_1261, %dma_start3A_1277] : memref<1000001x64xf32, #tpu.memory_space<hbm>> -> memref<1x64xf32, #tpu.memory_space<hbm>>
      %dma_start3A_1279 = tpu.memref_squeeze %dma_start3A_1278 : memref<1x64xf32, #tpu.memory_space<hbm>> -> memref<64xf32, #tpu.memory_space<hbm>>
      tpu.enqueue_dma source(%dma_start3A_1279 : memref<64xf32, #tpu.memory_space<hbm>>) target(%dma_start3A_1276 : memref<64xf32, #tpu.memory_space<vmem>>) target_semaphore(%arg7 : memref<!tpu.dma_semaphore, #tpu.memory_space<semaphore_mem>>)
      %slice3A_1280 = vector.extract_strided_slice %get3A_999 {offsets = [14], sizes = [1], strides = [1]} : vector<16xi32> to vector<1xi32>
      %squeeze3A_1281 = vector.extract %slice3A_1280[0] : i32 from vector<1xi32>
      %mul3A_1282 = arith.constant 64 : i32
      %mul3A_1283 = arith.muli %scan3A_14, %mul3A_1282 : i32
      %add3A_1284 = arith.constant 48 : i32
      %add3A_1285 = arith.addi %mul3A_1283, %add3A_1284 : i32
      %add3A_1286 = arith.constant 14 : i32
      %add3A_1287 = arith.addi %add3A_1285, %add3A_1286 : i32
      %dma_start3A_1288 = arith.constant 0 : i32
      %dma_start3A_1289 = tpu.memref_slice %arg6[%add3A_1287, %dma_start3A_1288] : memref<512x64xf32, #tpu.memory_space<vmem>> -> memref<1x64xf32, #tpu.memory_space<vmem>>
      %dma_start3A_1290 = tpu.memref_squeeze %dma_start3A_1289 : memref<1x64xf32, #tpu.memory_space<vmem>> -> memref<64xf32, #tpu.memory_space<vmem>>
      %dma_start3A_1291 = arith.constant 0 : i32
      %dma_start3A_1292 = tpu.memref_slice %arg2[%squeeze3A_1281, %dma_start3A_1291] : memref<1000001x64xf32, #tpu.memory_space<hbm>> -> memref<1x64xf32, #tpu.memory_space<hbm>>
      %dma_start3A_1293 = tpu.memref_squeeze %dma_start3A_1292 : memref<1x64xf32, #tpu.memory_space<hbm>> -> memref<64xf32, #tpu.memory_space<hbm>>
      %dma_start3A_1294 = arith.constant 0 : i32
      %dma_start3A_1295 = tpu.memref_slice %arg6[%add3A_1287, %dma_start3A_1294] : memref<512x64xf32, #tpu.memory_space<vmem>> -> memref<1x64xf32, #tpu.memory_space<vmem>>
      %dma_start3A_1296 = tpu.memref_squeeze %dma_start3A_1295 : memref<1x64xf32, #tpu.memory_space<vmem>> -> memref<64xf32, #tpu.memory_space<vmem>>
      %dma_start3A_1297 = arith.constant 0 : i32
      %dma_start3A_1298 = tpu.memref_slice %arg2[%squeeze3A_1281, %dma_start3A_1297] : memref<1000001x64xf32, #tpu.memory_space<hbm>> -> memref<1x64xf32, #tpu.memory_space<hbm>>
      %dma_start3A_1299 = tpu.memref_squeeze %dma_start3A_1298 : memref<1x64xf32, #tpu.memory_space<hbm>> -> memref<64xf32, #tpu.memory_space<hbm>>
      tpu.enqueue_dma source(%dma_start3A_1299 : memref<64xf32, #tpu.memory_space<hbm>>) target(%dma_start3A_1296 : memref<64xf32, #tpu.memory_space<vmem>>) target_semaphore(%arg7 : memref<!tpu.dma_semaphore, #tpu.memory_space<semaphore_mem>>)
      %slice3A_1300 = vector.extract_strided_slice %get3A_999 {offsets = [15], sizes = [1], strides = [1]} : vector<16xi32> to vector<1xi32>
      %squeeze3A_1301 = vector.extract %slice3A_1300[0] : i32 from vector<1xi32>
      %mul3A_1302 = arith.constant 64 : i32
      %mul3A_1303 = arith.muli %scan3A_14, %mul3A_1302 : i32
      %add3A_1304 = arith.constant 48 : i32
      %add3A_1305 = arith.addi %mul3A_1303, %add3A_1304 : i32
      %add3A_1306 = arith.constant 15 : i32
      %add3A_1307 = arith.addi %add3A_1305, %add3A_1306 : i32
      %dma_start3A_1308 = arith.constant 0 : i32
      %dma_start3A_1309 = tpu.memref_slice %arg6[%add3A_1307, %dma_start3A_1308] : memref<512x64xf32, #tpu.memory_space<vmem>> -> memref<1x64xf32, #tpu.memory_space<vmem>>
      %dma_start3A_1310 = tpu.memref_squeeze %dma_start3A_1309 : memref<1x64xf32, #tpu.memory_space<vmem>> -> memref<64xf32, #tpu.memory_space<vmem>>
      %dma_start3A_1311 = arith.constant 0 : i32
      %dma_start3A_1312 = tpu.memref_slice %arg2[%squeeze3A_1301, %dma_start3A_1311] : memref<1000001x64xf32, #tpu.memory_space<hbm>> -> memref<1x64xf32, #tpu.memory_space<hbm>>
      %dma_start3A_1313 = tpu.memref_squeeze %dma_start3A_1312 : memref<1x64xf32, #tpu.memory_space<hbm>> -> memref<64xf32, #tpu.memory_space<hbm>>
      %dma_start3A_1314 = arith.constant 0 : i32
      %dma_start3A_1315 = tpu.memref_slice %arg6[%add3A_1307, %dma_start3A_1314] : memref<512x64xf32, #tpu.memory_space<vmem>> -> memref<1x64xf32, #tpu.memory_space<vmem>>
      %dma_start3A_1316 = tpu.memref_squeeze %dma_start3A_1315 : memref<1x64xf32, #tpu.memory_space<vmem>> -> memref<64xf32, #tpu.memory_space<vmem>>
      %dma_start3A_1317 = arith.constant 0 : i32
      %dma_start3A_1318 = tpu.memref_slice %arg2[%squeeze3A_1301, %dma_start3A_1317] : memref<1000001x64xf32, #tpu.memory_space<hbm>> -> memref<1x64xf32, #tpu.memory_space<hbm>>
      %dma_start3A_1319 = tpu.memref_squeeze %dma_start3A_1318 : memref<1x64xf32, #tpu.memory_space<hbm>> -> memref<64xf32, #tpu.memory_space<hbm>>
      tpu.enqueue_dma source(%dma_start3A_1319 : memref<64xf32, #tpu.memory_space<hbm>>) target(%dma_start3A_1316 : memref<64xf32, #tpu.memory_space<vmem>>) target_semaphore(%arg7 : memref<!tpu.dma_semaphore, #tpu.memory_space<semaphore_mem>>)
      %scan3A_1320 = arith.constant 0 : i32
      scf.yield %scan3A_1320 : i32
    }
    %scan3A_8 = arith.constant 8 : i32
    %dma_wait3A = arith.constant 0 : i32
    %dma_wait3A_9 = arith.constant 0 : i32
    %dma_wait3A_10 = tpu.memref_slice %arg2[%dma_wait3A, %dma_wait3A_9] : memref<1000001x64xf32, #tpu.memory_space<hbm>> -> memref<512x64xf32, #tpu.memory_space<hbm>>
    %dma_wait3A_11 = arith.constant 0 : i32
    %dma_wait3A_12 = arith.constant 0 : i32
    %dma_wait3A_13 = tpu.memref_slice %arg2[%dma_wait3A_11, %dma_wait3A_12] : memref<1000001x64xf32, #tpu.memory_space<hbm>> -> memref<512x64xf32, #tpu.memory_space<hbm>>
    tpu.wait_dma2 semaphore(%arg7 : memref<!tpu.dma_semaphore, #tpu.memory_space<semaphore_mem>>) src(%dma_wait3A_13 : memref<512x64xf32, #tpu.memory_space<hbm>>) dst(%arg6 : memref<512x64xf32, #tpu.memory_space<vmem>>)
    "tpu.region"() ({
      %run_scoped3A = tpu.sem_alloc : memref<!tpu.dma_semaphore, #tpu.memory_space<semaphore_mem>>
      %dma_start3A = arith.constant 0 : i32
      %dma_start3A_14 = tpu.memref_slice %arg4[%mul3A_2, %dma_start3A] : memref<16384x64xf32, #tpu.memory_space<hbm>> -> memref<512x64xf32, #tpu.memory_space<hbm>>
      %dma_start3A_15 = arith.constant 0 : i32
      %dma_start3A_16 = tpu.memref_slice %arg4[%mul3A_2, %dma_start3A_15] : memref<16384x64xf32, #tpu.memory_space<hbm>> -> memref<512x64xf32, #tpu.memory_space<hbm>>
      tpu.enqueue_dma source(%arg6 : memref<512x64xf32, #tpu.memory_space<vmem>>) target(%dma_start3A_16 : memref<512x64xf32, #tpu.memory_space<hbm>>) target_semaphore(%run_scoped3A : memref<!tpu.dma_semaphore, #tpu.memory_space<semaphore_mem>>)
      %dma_wait3A_17 = arith.constant 0 : i32
      %dma_wait3A_18 = tpu.memref_slice %arg4[%mul3A_2, %dma_wait3A_17] : memref<16384x64xf32, #tpu.memory_space<hbm>> -> memref<512x64xf32, #tpu.memory_space<hbm>>
      %dma_wait3A_19 = arith.constant 0 : i32
      %dma_wait3A_20 = tpu.memref_slice %arg4[%mul3A_2, %dma_wait3A_19] : memref<16384x64xf32, #tpu.memory_space<hbm>> -> memref<512x64xf32, #tpu.memory_space<hbm>>
      tpu.wait_dma2 semaphore(%run_scoped3A : memref<!tpu.dma_semaphore, #tpu.memory_space<semaphore_mem>>) src(%arg6 : memref<512x64xf32, #tpu.memory_space<vmem>>) dst(%dma_wait3A_20 : memref<512x64xf32, #tpu.memory_space<hbm>>)
      tpu.yield
    }) : () -> ()
    return
  }
}

</mosaic_0001>

<sc_bundles>
// kernel: kernel.3.cloned.1.call-start
scs
__scs_entry_jumppad:
0x0: {  	(pc) =	sbr.rel $0x88, $3  }
0x1: {  	(tag) =	ssettag $0x0;
	lr =	simm.s32 $0x1  }
0x2: {  	[smem:$0x3F9F] =	sst lr;
	_ =	strace $0xD0000000  }
0x3: {  	_ = 	snop  }
0x4: {  	_ = 	snop  }
0x5: {  	_ = 	snop  }
0x6: {  	_ = 	snop  }
0x7: {  	_ = 	snop  }
__scs_overlays_trampoline_lowered:
0x8: {  	[smem:$0x3FAE] =	sst s0  }
0x9: {  	[smem:$0x3FAF] =	sst s1  }
0xa: {  	[smem:$0x3FB0] =	sst s2  }
0xb: {  	[smem:$0x3FB1] =	sst s3  }
0xc: {  	[smem:$0x3FB2] =	sst s4  }
0xd: {  	[smem:$0x3FB3] =	sst s5  }
0xe: {  	[smem:$0x3FB4] =	sst s6  }
0xf: {  	[smem:$0x3FB5] =	sst s7  }
0x10: {  	[smem:$0x3FB6] =	sst s8  }
0x11: {  	[smem:$0x3FB7] =	sst s9;
	s0 =	simm.s32 @!p0 $0x0  }
0x12: {  	s1 =	sld [smem:$0x3F9D];
	s0 =	simm.s32 @p0 $0x1  }
0x13: {  	[smem:$0x3FB8] =	sst s0;
	s0 =	simm.s32 @!p1 $0x0  }
0x14: {  	s2 =	sld [smem:$0x3F9C];
	s0 =	simm.s32 @p1 $0x1  }
0x15: {  	[smem:$0x3FB9] =	sst s0;
	s0 =	simm.s32 @!p2 $0x0  }
0x16: {  	s3 =	sld [smem:$0x3FDB];
	s0 =	simm.s32 @p2 $0x1  }
0x17: {  	s4 =	simm.s32 $0x1BF5;
	[smem:$0x3FBB] =	sst s0  }
0x18: {  	s0 =	sld [smem:$0x3F9E];
	_ =	swait.ge [sflag:s4], $0x0  }
0x19: {  	s7 =	sld [smem:$0x3F9F]  }
0x1a: {  	s8 =	sadd.s32 $0xFFFFE003, lr  }
0x1b: {  	s9 =	sadd.s32 $0xFFFFFEF7, lr;
	s5 =	simm.s32 $0xFFFFFFFF;
	p2 =	slt.u32 s8, $0xFFFFF086  }
0x1c: {  	p1 =	slt.u32 s9, $0xF7A;
	s5 =	simm.s32 @!p2 $0x0  }
0x1d: {  	s5 =	simm.s32 @p1 $0x1;
	p0 =	seq.s32 s7, s2  }
0x1e: {  	s7 =	smul.u32 @!p0 $0xF7A, s2;
	p2 =	seq.s32 @!p0 s5, $0x0  }
0x1f: {  	s9 =	smul.u32 $0xF7A, s1;
	s8 =	simm.s32 @!p0 $0x1BF5;
	p2 =	por !p2, p0  }
0x20: {  	[sflag:s8] =	ssyncset.s32 @!p0 $0xFFFFF086;
	s6 =	sadd.s32 @!p0 s3, s7;
	s7 =	simm.s32 @!p0 $0x108  }
0x21: {  	s3 =	sadd.s32 s3, s9;
	s6 =	sadd.s32 @!p0 $0x88, s6;
	s7 =	simm.s32 @p2 $0x1082  }
0x22: {  	[simem:s7], [sflag:s8] =	dma.local @!p0 [hbm:s6], $0xF7A  }
0x23: {  	s9 =	sor.u32 $0xD0000000, s2;
	s6 =	simm.s32 $0x108;
	_ =	swait.ge @!p0 [sflag:s8], $0x0  }
0x24: {  	s3 =	sadd.s32 $0x88, s3;
	s6 =	simm.s32 @!p1 $0x1082;
	[sflag:s4] =	ssyncset.s32 $0xFFFFF086  }
0x25: {  	[simem:s6], [sflag:s4] =	dma.local [hbm:s3], $0xF7A  }
0x26: {  	[smem:$0x3F9F] =	sst s1;
	(tag) =	ssettag s2;
	_ =	strace s9  }
0x27: {  	s1 =	sld [smem:$0x3FAF]  }
0x28: {  	s2 =	sld [smem:$0x3FB0]  }
0x29: {  	s4 =	sld [smem:$0x3FB2]  }
0x2a: {  	p0 =	seq.s32 s5, $0x0;
	s5 =	sld [smem:$0x3FB3]  }
0x2b: {  	s6 =	sld [smem:$0x3FB4]  }
0x2c: {  	s7 =	sld [smem:$0x3FB5]  }
0x2d: {  	s3 =	simm.s32 $0x108;
	s8 =	sld [smem:$0x3FB6]  }
0x2e: {  	s3 =	simm.s32 @!p0 $0x1082;
	s9 =	sld [smem:$0x3FB7]  }
0x2f: {  	lr =	sadd.s32 s0, s3;
	s0 =	sld [smem:$0x3FAE]  }
0x30: {  	s3 =	sld [smem:$0x3FB1]  }
0x31: {  	[smem:$0x3FBA] =	sst s10  }
0x32: {  	s10 =	sld [smem:$0x3FB8];
	_ =	sdelay $0x3  }
0x33: {  	p0 =	seq.s32 s10, $0x1;
	s10 =	sld [smem:$0x3FBA];
	_ =	sdelay $0x3  }
0x34: {  	[smem:$0x3FBA] =	sst s10  }
0x35: {  	s10 =	sld [smem:$0x3FB9];
	_ =	sdelay $0x3  }
0x36: {  	p1 =	seq.s32 s10, $0x1;
	s10 =	sld [smem:$0x3FBA];
	_ =	sdelay $0x3  }
0x37: {  	[smem:$0x3FBA] =	sst s10  }
0x38: {  	s10 =	sld [smem:$0x3FBB]  }
0x39: {  	_ = 	snop;
	(pc) =	sbr.ind lr, $3  }
0x3a: {  	_ = 	snop  }
0x3b: {  	_ = 	snop  }
0x3c: {  	p2 =	seq.s32 s10, $0x1;
	s10 =	sld [smem:$0x3FBA]  }
0x3d: {  	_ =	shalt  }
0x3e: {  	_ =	shalt  }
0x3f: {  	_ =	shalt  }
0x40: {  	_ =	shalt  }
0x41: {  	_ =	shalt  }
0x42: {  	_ =	shalt  }
0x43: {  	_ =	shalt  }
0x44: {  	_ =	shalt  }
0x45: {  	_ =	shalt  }
0x46: {  	_ =	shalt  }
0x47: {  	_ =	shalt  }
0x48: {  	_ =	shalt  }
0x49: {  	_ =	shalt  }
0x4a: {  	_ =	shalt  }
0x4b: {  	_ =	shalt  }
0x4c: {  	_ =	shalt  }
0x4d: {  	_ =	shalt  }
0x4e: {  	_ =	shalt  }
0x4f: {  	_ =	shalt  }
0x50: {  	_ =	shalt  }
0x51: {  	_ =	shalt  }
0x52: {  	_ =	shalt  }
0x53: {  	_ =	shalt  }
0x54: {  	_ =	shalt  }
0x55: {  	_ =	shalt  }
0x56: {  	_ =	shalt  }
0x57: {  	_ =	shalt  }
0x58: {  	_ =	shalt  }
0x59: {  	_ =	shalt  }
0x5a: {  	_ =	shalt  }
0x5b: {  	_ =	shalt  }
0x5c: {  	_ =	shalt  }
0x5d: {  	_ =	shalt  }
0x5e: {  	_ =	shalt  }
0x5f: {  	_ =	shalt  }
0x60: {  	_ =	shalt  }
0x61: {  	_ =	shalt  }
0x62: {  	_ =	shalt  }
0x63: {  	_ =	shalt  }
0x64: {  	_ =	shalt  }
0x65: {  	_ =	shalt  }
0x66: {  	_ =	shalt  }
0x67: {  	_ =	shalt  }
0x68: {  	_ =	shalt  }
0x69: {  	_ =	shalt  }
0x6a: {  	_ =	shalt  }
0x6b: {  	_ =	shalt  }
0x6c: {  	_ =	shalt  }
0x6d: {  	_ =	shalt  }
0x6e: {  	_ =	shalt  }
0x6f: {  	_ =	shalt  }
0x70: {  	_ =	shalt  }
0x71: {  	_ =	shalt  }
0x72: {  	_ =	shalt  }
0x73: {  	_ =	shalt  }
0x74: {  	_ =	shalt  }
0x75: {  	_ =	shalt  }
0x76: {  	_ =	shalt  }
0x77: {  	_ =	shalt  }
0x78: {  	_ =	shalt  }
0x79: {  	_ =	shalt  }
0x7a: {  	_ =	shalt  }
0x7b: {  	_ =	shalt  }
0x7c: {  	_ =	shalt  }
0x7d: {  	_ =	shalt  }
0x7e: {  	_ =	shalt  }
0x7f: {  	_ =	shalt  }
0x80: {  	_ =	shalt  }
0x81: {  	_ =	shalt  }
0x82: {  	_ =	shalt  }
0x83: {  	_ =	shalt  }
0x84: {  	_ =	shalt  }
0x85: {  	_ =	shalt  }
0x86: {  	_ =	shalt  }
0x87: {  	_ =	shalt  }
.Lfunc_end0:
.L_simem_size_0:
called_computation_lowered:
.L_overlay_start_0:
0x88: {  	s2 =	sld [smem:$0x3FD9]  }
0x89: {  	s3 =	sld [smem:$0x3FFE];
	_ =	sdelay $0x1  }
0x8a: {  	s1 =	srdreg.scid  }
0x8b: {  	s0 =	sand.u32 $0x1, s1  }
0x8c: {  	s17 =	sshll.u32 s0, $0xA;
	s2 =	sadd.s32 s3, s2  }
0x8d: {  	s2 =	sadd.s32 s2, s17  }
0x8e: {  	[smem:$0x3FC6] =	sst s2  }
0x8f: {  	_ = 	snop  }
0x90: {  	s2 =	sld [smem:$0x3FD0];
	(tm) =	ssettm $0x1  }
0x91: {  	s18 =	sld [smem:$0x3FFB];
	_ =	sdelay $0x3  }
0x92: {  	_ =	strace s18  }
0x93: {  	s3 =	sld [smem:$0x3FFC];
	_ =	sdelay $0x3  }
0x94: {  	_ =	strace s3  }
0x95: {  	s3 =	sld [smem:$0x3FFD];
	_ =	sdelay $0x3  }
0x96: {  	_ =	strace s3  }
0x97: {  	_ =	strace $0x8FFFFFFF  }
0x98: {  	s19 =	sld [smem:$0x3FDB];
	_ =	sdelay $0x1  }
0x99: {  	s4 =	simm.s32 $_scs_section_size  }
0x9a: {  	s5 =	simm.s32 $_size__tile_overlayer_lowered;
	s6 =	simm.s32 $_tile_overlayer_lowered  }
0x9b: {  	s22 =	simm.s32 $0x1BFF;
	s21 =	sshll.u32 s6, $0x1;
	s3 =	sadd.s32 s4, s19  }
0x9c: {  	s7 =	simm.s32 $0x0;
	s20 =	sshll.u32 s5, $0x1;
	s5 =	sadd.s32 s21, s3  }
0x9d: {  	[timem:s7], [sflag:s22] =	dma.local [hbm:s5], s20  }
0x9e: {  	_ =	swait.ge [sflag:s22], s20  }
0x9f: {  	s4 =	ssub.s32 $0x0, s20;
	[sflag:s22] =	ssyncset.done $0x0  }
0xa0: {  	[sflag:s22] =	ssyncadd.s32 s4;
	_ =	sdelay $0x1  }
0xa1: {  	s23 =	simm.s32 $0x1B8B  }
0xa2: {  	_ =	swait.ge [sflag:s23], $0x1  }
0xa3: {  	[sflag:s23] =	ssyncset.done $0x0  }
0xa4: {  	s25 =	simm.s32 $0x1B8E;
	s24 =	sld [smem:$0x3FFE];
	[sflag:s23] =	ssyncadd.s32 $0xFFFFFFFF  }
0xa5: {  	s26 =	simm.s32 $execute0_lowered;
	[smem:$0x3FD2] =	sst s25  }
0xa6: {  	s5 =	sshll.u32 s26, $0x1;
	_ =	strace $0x80000046;
	[dreg:$0x1] =	wrdreg $0xFFFFFFFF  }
0xa7: {  	s28 =	simm.s32 $_size_execute0_lowered;
	s3 =	sadd.s32 s3, s5;
	[dreg:$0x0] =	wrdreg $0x0  }
0xa8: {  	s5 =	sshll.u32 s28, $0x1;
	[dreg:$0x2] =	wrdreg s3  }
0xa9: {  	[dreg:$0x3] =	wrdreg s5  }
0xaa: {  	[dreg:$0x4] =	wrdreg $0xC0  }
0xab: {  	_ =	task [dreg:s7], $0x5FFFF  }
0xac: {  	[dreg:$0x1] =	wrdreg $0xFFFFFFFF  }
0xad: {  	[dreg:$0x0] =	wrdreg $0x60  }
0xae: {  	[dreg:$0x2] =	wrdreg s24  }
0xaf: {  	[dreg:$0x3] =	wrdreg s2  }
0xb0: {  	[dreg:$0x4] =	wrdreg $0x9  }
0xb1: {  	_ =	task.clear_ibuf [dreg:s7], $0x5FFFF;
	_ =	strace $0x90000046  }
0xb2: {  	s29 =	simm.s32 $0x9;
	_ =	strace $0x80000048  }
0xb3: {  	_ =	swait.ge [sflag:s29], $0x1  }
0xb4: {  	[sflag:s29] =	ssyncadd.s32 $0xFFFFFFFF  }
0xb5: {  	_ =	strace $0x90000048  }
0xb6: {  	_ =	sfence  }
0xb7: {  	s30 =	sld [smem:$0x0];
	_ =	sdelay $0x2  }
0xb8: {  	s31 =	sshll.u32 s1, $0xD;
	s1 =	sshrl.u32 s1, $0x2  }
0xb9: {  	s3 =	sand.u32 $0x4000, s31;
	s1 =	sadd.s32 s1, s30  }
0xba: {  	s0 =	sor.u32 s3, s0;
	s1 =	sshll.u32 s1, $0x11  }
0xbb: {  	s0 =	sor.u32 s1, s0  }
0xbc: {  	s0 =	sadd.s32 $0x8F2B, s0  }
0xbd: {  	[sflag:s0] =	ssyncadd.remote.s32 $0x1  }
0xbe: {  	_ =	sfence.sel $0xFFFF  }
0xbf: {  	[dreg:$0x0] =	wrdreg $0xFFFFFFFF;
	(pc) =	sbr.abs _section_cstart, $3  }
0xc0: {  	[dreg:$0x1] =	wrdreg $0xFFFFFFFF  }
0xc1: {  	_ =	task.clear_ibuf [dreg:s7], $0x2FFFF;
	_ =	strace $0x9FFFFFFF  }
0xc2: {  	(tm) =	ssettm $0x7FFFFFFF  }
0xc3: {  	_ =	shalt  }
tec
execute0_lowered:
.L_overlay_start_1:
0x0: {  	(tag) =	ssettag $0x1  }
0x1: {  	s4 =	rddreg [dreg:$0x0]  }
0x2: {  	s5 =	rddreg [dreg:$0x1];
	s3 =	srdreg.scid  }
0x3: {  	s0 =	stileid.u32;
	s2 =	simm.s32 $0x0;
	s10 =	simm.s32 $0x1  }
0x4: {  	s11 =	simm.s32 $0x200;
	s12 =	simm.s32 $0x0;
	s6 =	sand.u32 $0x1, s3  }
0x5: {  	s28 =	sshll.u32 s0, $0x1;
	[smem:$0x7FF] =	sst s2;
	s3 =	sadd.s32 $0x400, s4  }
0x6: {  	s30 =	sshll.u32 s0, $0x7;
	s7 =	sor.u32 s6, s28;
	_ =	strace $0x80000047  }
0x7: {  	s29 =	ssub.s32 $0x2, s6;
	s6 =	sand.u32 $0x600, s30;
	s8 =	sshll.u32 s7, $0xD  }
0x8: {  	s9 =	sshrl.u32 s29, $0x1;
	s7 =	sshll.u32 s7, $0x4;
	s5 =	sadd.s32 s5, s6  }
0x9: {  	s8 =	sadd.s32 s8, s4;
	s9 =	ssub.s32 s29, s9;
	s31 =	sand.u32 $0x70, s7  }
0xa: {  	s7 =	simm.s32 $0x80;
	s4 =	sadd.s32 s31, s5;
	s5 =	sadd.s32 $0xF42A00, s8  }
0xb: {  	s6 =	smax.u32 s9, $0x1;
	s8 =	simm.s32 $0x400;
	s9 =	simm.s32 $0x2  }
.LBB2_1:
0xc: {  	[tilespmem:s2], [sflag:$0x2] =	stream.strided.gather [hbm4b:s4+s7], $0x200, s8, s7, $0x38;
	[tilespmem:$0x10200] =	vst v63  }
0xd: {  	_ =	swait.ge [sflag:s9], $0x200  }
0xe: {  	[sflag:s9] =	ssyncset.done $0x0  }
0xf: {  	s13 =	simm.s32 $0x20;
	[sflag:s9] =	ssyncadd.s32 $0xFFFFFE00  }
0x10: {  	v0 =	vld [tilespmem:s13+$0xFFFFFFE0];
	_ =	sdelay $0x4  }
0x11: {  	v0 =	vshll.u32 v0, $0x4  }
0x12: {  	(v2sf) =	vpush v0, $0x1  }
0x13: {  	(v2sf) =	vpush v0, $0x0  }
0x14: {  	(v2sf) =	vpush v0, $0x2  }
0x15: {  	(v2sf) =	vpush v0, $0x3;
	_ =	sdelay $0x1  }
0x16: {  	(v2sf) =	vpush v0, $0x4;
	_ =	sdelay $0x1  }
0x17: {  	(v2sf) =	vpush v0, $0x5;
	_ =	sdelay $0x1  }
0x18: {  	(v2sf) =	vpush v0, $0x6;
	_ =	sdelay $0x1  }
0x19: {  	(v2sf) =	vpush v0, $0x7  }
0x1a: {  	s15 =	simm.s32 $0x800;
	s14 =	simm.s32 $0x880  }
0x1b: {  	s17 =	simm.s32 $0x200;
	s18 =	simm.s32 $0x280;
	s16 =	simm.s32 $0x780  }
0x1c: {  	s19 =	simm.s32 $0x680;
	s20 =	simm.s32 $0x700;
	s22 =	simm.s32 $0x300  }
0x1d: {  	s24 =	simm.s32 $0x600;
	s28 =	simm.s32 $0x580;
	s21 =	spop (v2sf);
	(v2sf) =	vpush v0, $0x8  }
0x1e: {  	s31 =	simm.s32 $0x380;
	s1 =	simm.s32 $0x400;
	s23 =	spop (v2sf)  }
0x1f: {  	s21 =	sand.u32 $0x1FFFFFF0, s21;
	(v2sf) =	vpush v0, $0x9;
	s23 =	sand.u32 $0x1FFFFFF0, s23;
	s25 =	spop (v2sf)  }
0x20: {  	s23 =	sadd.s32 s3, s23;
	s25 =	sand.u32 $0x1FFFFFF0, s25;
	s26 =	spop (v2sf)  }
0x21: {  	(v2sf) =	vpush v0, $0xA;
	[tilespmem:s17], [sflag:$0x1] =	stream.linear.gather [hbm4b:s23+s2], $0x80, $0x38;
	[tilespmem:$0x10200] =	vst v63  }
0x22: {  	s26 =	sand.u32 $0x1FFFFFF0, s26;
	s29 =	spop (v2sf);
	s23 =	sadd.s32 s3, s21  }
0x23: {  	(v2sf) =	vpush v0, $0xB;
	[tilespmem:s18], [sflag:$0x1] =	stream.linear.gather [hbm4b:s23+s2], $0x80, $0x38;
	[tilespmem:$0x10200] =	vst v63  }
0x24: {  	s30 =	sadd.s32 s3, s25;
	s21 =	sand.u32 $0x1FFFFFF0, s29;
	s29 =	spop (v2sf)  }
0x25: {  	(v2sf) =	vpush v0, $0xC;
	[tilespmem:s22], [sflag:$0x1] =	stream.linear.gather [hbm4b:s30+s2], $0x80, $0x38;
	[tilespmem:$0x10200] =	vst v63  }
0x26: {  	s0 =	sadd.s32 s3, s26;
	s23 =	sand.u32 $0x1FFFFFF0, s29;
	s26 =	spop (v2sf)  }
0x27: {  	(v2sf) =	vpush v0, $0xD;
	[tilespmem:s31], [sflag:$0x1] =	stream.linear.gather [hbm4b:s0+s2], $0x80, $0x38;
	[tilespmem:$0x10200] =	vst v63  }
0x28: {  	s29 =	sadd.s32 s3, s21;
	s25 =	spop (v2sf);
	s31 =	sand.u32 $0x1FFFFFF0, s26  }
0x29: {  	(v2sf) =	vpush v0, $0xE;
	[tilespmem:s1], [sflag:$0x1] =	stream.linear.gather [hbm4b:s29+s2], $0x80, $0x38;
	[tilespmem:$0x10200] =	vst v63  }
0x2a: {  	s30 =	simm.s32 $0x480;
	s0 =	sadd.s32 s3, s23;
	s26 =	sadd.s32 s3, s31  }
0x2b: {  	(v2sf) =	vpush v0, $0xF;
	[tilespmem:s30], [sflag:$0x1] =	stream.linear.gather [hbm4b:s0+s2], $0x80, $0x38;
	[tilespmem:$0x10200] =	vst v63  }
0x2c: {  	s1 =	simm.s32 $0x500;
	s29 =	sand.u32 $0x1FFFFFF0, s25;
	s30 =	spop (v2sf)  }
0x2d: {  	[tilespmem:s1], [sflag:$0x1] =	stream.linear.gather [hbm4b:s26+s2], $0x80, $0x38;
	[tilespmem:$0x10200] =	vst v63  }
0x2e: {  	s31 =	sadd.s32 s3, s29;
	s0 =	sand.u32 $0x1FFFFFF0, s30;
	s1 =	spop (v2sf)  }
0x2f: {  	[tilespmem:s28], [sflag:$0x1] =	stream.linear.gather [hbm4b:s31+s2], $0x80, $0x38;
	[tilespmem:$0x10200] =	vst v63  }
0x30: {  	s18 =	sadd.s32 s3, s0;
	s22 =	sand.u32 $0x1FFFFFF0, s1;
	s23 =	spop (v2sf)  }
0x31: {  	[tilespmem:s24], [sflag:$0x1] =	stream.linear.gather [hbm4b:s18+s2], $0x80, $0x38;
	[tilespmem:$0x10200] =	vst v63  }
0x32: {  	s25 =	sand.u32 $0x1FFFFFF0, s23;
	s26 =	spop (v2sf);
	s24 =	sadd.s32 s3, s22  }
0x33: {  	[tilespmem:s19], [sflag:$0x1] =	stream.linear.gather [hbm4b:s24+s2], $0x80, $0x38;
	[tilespmem:$0x10200] =	vst v63  }
0x34: {  	s28 =	sadd.s32 s3, s25;
	s29 =	sand.u32 $0x1FFFFFF0, s26;
	s30 =	spop (v2sf)  }
0x35: {  	[tilespmem:s20], [sflag:$0x1] =	stream.linear.gather [hbm4b:s28+s2], $0x80, $0x38;
	[tilespmem:$0x10200] =	vst v63  }
0x36: {  	s31 =	sadd.s32 s3, s29;
	s0 =	sand.u32 $0x1FFFFFF0, s30;
	s1 =	spop (v2sf)  }
0x37: {  	[tilespmem:s16], [sflag:$0x1] =	stream.linear.gather [hbm4b:s31+s2], $0x80, $0x38;
	[tilespmem:$0x10200] =	vst v63  }
0x38: {  	s21 =	sand.u32 $0x1FFFFFF0, s1;
	s22 =	spop (v2sf);
	s20 =	sadd.s32 s3, s0  }
0x39: {  	[tilespmem:s15], [sflag:$0x1] =	stream.linear.gather [hbm4b:s20+s2], $0x80, $0x38;
	[tilespmem:$0x10200] =	vst v63  }
0x3a: {  	s23 =	sadd.s32 s3, s21;
	s24 =	sand.u32 $0x1FFFFFF0, s22;
	s25 =	spop (v2sf)  }
0x3b: {  	[tilespmem:s14], [sflag:$0x1] =	stream.linear.gather [hbm4b:s23+s2], $0x80, $0x38;
	[tilespmem:$0x10200] =	vst v63  }
0x3c: {  	s26 =	simm.s32 $0x900;
	s29 =	sand.u32 $0x1FFFFFF0, s25;
	s28 =	sadd.s32 s3, s24  }
0x3d: {  	[tilespmem:s26], [sflag:$0x1] =	stream.linear.gather [hbm4b:s28+s2], $0x80, $0x38;
	[tilespmem:$0x10200] =	vst v63  }
0x3e: {  	s30 =	simm.s32 $0x980;
	s31 =	sadd.s32 s3, s29  }
0x3f: {  	[tilespmem:s30], [sflag:$0x1] =	stream.linear.gather [hbm4b:s31+s2], $0x80, $0x38;
	[tilespmem:$0x10200] =	vst v63  }
0x40: {  	v61 =	vld [tilespmem:s13+$0xFFFFFFF0];
	_ =	sdelay $0x4  }
0x41: {  	v0 =	vshll.u32 v61, $0x4  }
0x42: {  	(v2sf) =	vpush v0, $0x0  }
0x43: {  	(v2sf) =	vpush v0, $0x1  }
0x44: {  	(v2sf) =	vpush v0, $0x2;
	_ =	sdelay $0x1  }
0x45: {  	(v2sf) =	vpush v0, $0x3;
	_ =	sdelay $0x1  }
0x46: {  	(v2sf) =	vpush v0, $0x4;
	_ =	sdelay $0x1  }
0x47: {  	(v2sf) =	vpush v0, $0x5;
	_ =	sdelay $0x1  }
0x48: {  	(v2sf) =	vpush v0, $0x6  }
0x49: {  	s17 =	simm.s32 $0xF00;
	s18 =	simm.s32 $0xE80  }
0x4a: {  	s1 =	simm.s32 $0xA00;
	s19 =	simm.s32 $0xD00;
	s21 =	simm.s32 $0xE00;
	(v2sf) =	vpush v0, $0x7  }
0x4b: {  	s22 =	simm.s32 $0xB80;
	s25 =	simm.s32 $0xA80;
	s24 =	simm.s32 $0xC80  }
0x4c: {  	s16 =	simm.s32 $0xF80;
	s15 =	simm.s32 $0x1000;
	s20 =	simm.s32 $0xD80;
	(v2sf) =	vpush v0, $0x8  }
0x4d: {  	s14 =	simm.s32 $0x1080;
	s23 =	simm.s32 $0xC00;
	s0 =	spop (v2sf)  }
0x4e: {  	s26 =	simm.s32 $0xB00;
	s28 =	sand.u32 $0x1FFFFFF0, s0;
	s30 =	spop (v2sf);
	(v2sf) =	vpush v0, $0x9  }
0x4f: {  	s28 =	sadd.s32 s3, s28;
	s30 =	sand.u32 $0x1FFFFFF0, s30;
	s31 =	spop (v2sf)  }
0x50: {  	(v2sf) =	vpush v0, $0xA;
	[tilespmem:s1], [sflag:$0x1] =	stream.linear.gather [hbm4b:s28+s2], $0x80, $0x38;
	[tilespmem:$0x10200] =	vst v63  }
0x51: {  	s28 =	sadd.s32 s3, s30;
	s0 =	sand.u32 $0x1FFFFFF0, s31;
	s1 =	spop (v2sf)  }
0x52: {  	(v2sf) =	vpush v0, $0xB;
	[tilespmem:s25], [sflag:$0x1] =	stream.linear.gather [hbm4b:s28+s2], $0x80, $0x38;
	[tilespmem:$0x10200] =	vst v63  }
0x53: {  	s31 =	sadd.s32 s3, s0;
	s0 =	sand.u32 $0x1FFFFFF0, s1;
	s1 =	spop (v2sf)  }
0x54: {  	(v2sf) =	vpush v0, $0xC;
	[tilespmem:s26], [sflag:$0x1] =	stream.linear.gather [hbm4b:s31+s2], $0x80, $0x38;
	[tilespmem:$0x10200] =	vst v63  }
0x55: {  	s29 =	sand.u32 $0x1FFFFFF0, s1;
	s30 =	spop (v2sf);
	s26 =	sadd.s32 s3, s0  }
0x56: {  	(v2sf) =	vpush v0, $0xD;
	[tilespmem:s22], [sflag:$0x1] =	stream.linear.gather [hbm4b:s26+s2], $0x80, $0x38;
	[tilespmem:$0x10200] =	vst v63  }
0x57: {  	s1 =	spop (v2sf);
	s31 =	sadd.s32 s3, s29;
	s0 =	sand.u32 $0x1FFFFFF0, s30  }
0x58: {  	(v2sf) =	vpush v0, $0xE;
	[tilespmem:s23], [sflag:$0x1] =	stream.linear.gather [hbm4b:s31+s2], $0x80, $0x38;
	[tilespmem:$0x10200] =	vst v63  }
0x59: {  	s25 =	sand.u32 $0x1FFFFFF0, s1;
	s26 =	spop (v2sf);
	s23 =	sadd.s32 s3, s0  }
0x5a: {  	(v2sf) =	vpush v0, $0xF;
	[tilespmem:s24], [sflag:$0x1] =	stream.linear.gather [hbm4b:s23+s2], $0x80, $0x38;
	[tilespmem:$0x10200] =	vst v63  }
0x5b: {  	s28 =	sadd.s32 s3, s25;
	s29 =	sand.u32 $0x1FFFFFF0, s26;
	s30 =	spop (v2sf)  }
0x5c: {  	[tilespmem:s19], [sflag:$0x1] =	stream.linear.gather [hbm4b:s28+s2], $0x80, $0x38;
	[tilespmem:$0x10200] =	vst v63  }
0x5d: {  	s31 =	sadd.s32 s3, s29;
	s0 =	sand.u32 $0x1FFFFFF0, s30;
	s1 =	spop (v2sf)  }
0x5e: {  	[tilespmem:s20], [sflag:$0x1] =	stream.linear.gather [hbm4b:s31+s2], $0x80, $0x38;
	[tilespmem:$0x10200] =	vst v63  }
0x5f: {  	s20 =	sadd.s32 s3, s0;
	s22 =	sand.u32 $0x1FFFFFF0, s1;
	s23 =	spop (v2sf)  }
0x60: {  	[tilespmem:s21], [sflag:$0x1] =	stream.linear.gather [hbm4b:s20+s2], $0x80, $0x38;
	[tilespmem:$0x10200] =	vst v63  }
0x61: {  	s24 =	sadd.s32 s3, s22;
	s25 =	sand.u32 $0x1FFFFFF0, s23;
	s26 =	spop (v2sf)  }
0x62: {  	[tilespmem:s18], [sflag:$0x1] =	stream.linear.gather [hbm4b:s24+s2], $0x80, $0x38;
	[tilespmem:$0x10200] =	vst v63  }
0x63: {  	s28 =	sadd.s32 s3, s25;
	s29 =	sand.u32 $0x1FFFFFF0, s26;
	s30 =	spop (v2sf)  }
0x64: {  	[tilespmem:s17], [sflag:$0x1] =	stream.linear.gather [hbm4b:s28+s2], $0x80, $0x38;
	[tilespmem:$0x10200] =	vst v63  }
0x65: {  	s31 =	sadd.s32 s3, s29;
	s0 =	sand.u32 $0x1FFFFFF0, s30;
	s1 =	spop (v2sf)  }
0x66: {  	[tilespmem:s16], [sflag:$0x1] =	stream.linear.gather [hbm4b:s31+s2], $0x80, $0x38;
	[tilespmem:$0x10200] =	vst v63  }
0x67: {  	s18 =	sadd.s32 s3, s0;
	s20 =	sand.u32 $0x1FFFFFF0, s1;
	s21 =	spop (v2sf)  }
0x68: {  	[tilespmem:s15], [sflag:$0x1] =	stream.linear.gather [hbm4b:s18+s2], $0x80, $0x38;
	[tilespmem:$0x10200] =	vst v63  }
0x69: {  	s22 =	sadd.s32 s3, s20;
	s23 =	sand.u32 $0x1FFFFFF0, s21;
	s24 =	spop (v2sf)  }
0x6a: {  	[tilespmem:s14], [sflag:$0x1] =	stream.linear.gather [hbm4b:s22+s2], $0x80, $0x38;
	[tilespmem:$0x10200] =	vst v63  }
0x6b: {  	s25 =	simm.s32 $0x1100;
	s26 =	sadd.s32 s3, s23;
	s28 =	sand.u32 $0x1FFFFFF0, s24  }
0x6c: {  	[tilespmem:s25], [sflag:$0x1] =	stream.linear.gather [hbm4b:s26+s2], $0x80, $0x38;
	[tilespmem:$0x10200] =	vst v63  }
0x6d: {  	s29 =	simm.s32 $0x1180;
	s30 =	sadd.s32 s3, s28  }
0x6e: {  	[tilespmem:s29], [sflag:$0x1] =	stream.linear.gather [hbm4b:s30+s2], $0x80, $0x38;
	[tilespmem:$0x10200] =	vst v63  }
0x6f: {  	v62 =	vld [tilespmem:s13+$0x0];
	_ =	sdelay $0x4  }
0x70: {  	v0 =	vshll.u32 v62, $0x4  }
0x71: {  	(v2sf) =	vpush v0, $0x0  }
0x72: {  	(v2sf) =	vpush v0, $0x1  }
0x73: {  	(v2sf) =	vpush v0, $0x2;
	_ =	sdelay $0x1  }
0x74: {  	(v2sf) =	vpush v0, $0x3;
	_ =	sdelay $0x1  }
0x75: {  	(v2sf) =	vpush v0, $0x4;
	_ =	sdelay $0x1  }
0x76: {  	(v2sf) =	vpush v0, $0x5;
	_ =	sdelay $0x1  }
0x77: {  	(v2sf) =	vpush v0, $0x6  }
0x78: {  	s19 =	simm.s32 $0x1500;
	s20 =	simm.s32 $0x1580  }
0x79: {  	s21 =	simm.s32 $0x1600;
	s17 =	simm.s32 $0x1700;
	s23 =	simm.s32 $0x1400;
	(v2sf) =	vpush v0, $0x7  }
0x7a: {  	s16 =	simm.s32 $0x1780;
	s24 =	simm.s32 $0x1480;
	s15 =	simm.s32 $0x1800  }
0x7b: {  	s18 =	simm.s32 $0x1680;
	s14 =	simm.s32 $0x1880;
	s22 =	simm.s32 $0x1380;
	(v2sf) =	vpush v0, $0x8  }
0x7c: {  	s25 =	simm.s32 $0x1280;
	s26 =	simm.s32 $0x1300;
	s31 =	spop (v2sf)  }
0x7d: {  	s29 =	simm.s32 $0x1200;
	s28 =	sand.u32 $0x1FFFFFF0, s31;
	s0 =	spop (v2sf);
	(v2sf) =	vpush v0, $0x9  }
0x7e: {  	s28 =	sadd.s32 s3, s28;
	s30 =	sand.u32 $0x1FFFFFF0, s0;
	s1 =	spop (v2sf)  }
0x7f: {  	(v2sf) =	vpush v0, $0xA;
	[tilespmem:s29], [sflag:$0x1] =	stream.linear.gather [hbm4b:s28+s2], $0x80, $0x38;
	[tilespmem:$0x10200] =	vst v63  }
0x80: {  	s28 =	sadd.s32 s3, s30;
	s0 =	sand.u32 $0x1FFFFFF0, s1;
	s1 =	spop (v2sf)  }
0x81: {  	(v2sf) =	vpush v0, $0xB;
	[tilespmem:s25], [sflag:$0x1] =	stream.linear.gather [hbm4b:s28+s2], $0x80, $0x38;
	[tilespmem:$0x10200] =	vst v63  }
0x82: {  	s31 =	sadd.s32 s3, s0;
	s0 =	sand.u32 $0x1FFFFFF0, s1;
	s1 =	spop (v2sf)  }
0x83: {  	(v2sf) =	vpush v0, $0xC;
	[tilespmem:s26], [sflag:$0x1] =	stream.linear.gather [hbm4b:s31+s2], $0x80, $0x38;
	[tilespmem:$0x10200] =	vst v63  }
0x84: {  	s29 =	sand.u32 $0x1FFFFFF0, s1;
	s30 =	spop (v2sf);
	s26 =	sadd.s32 s3, s0  }
0x85: {  	(v2sf) =	vpush v0, $0xD;
	[tilespmem:s22], [sflag:$0x1] =	stream.linear.gather [hbm4b:s26+s2], $0x80, $0x38;
	[tilespmem:$0x10200] =	vst v63  }
0x86: {  	s1 =	spop (v2sf);
	s31 =	sadd.s32 s3, s29;
	s0 =	sand.u32 $0x1FFFFFF0, s30  }
0x87: {  	(v2sf) =	vpush v0, $0xE;
	[tilespmem:s23], [sflag:$0x1] =	stream.linear.gather [hbm4b:s31+s2], $0x80, $0x38;
	[tilespmem:$0x10200] =	vst v63  }
0x88: {  	s25 =	sand.u32 $0x1FFFFFF0, s1;
	s26 =	spop (v2sf);
	s23 =	sadd.s32 s3, s0  }
0x89: {  	(v2sf) =	vpush v0, $0xF;
	[tilespmem:s24], [sflag:$0x1] =	stream.linear.gather [hbm4b:s23+s2], $0x80, $0x38;
	[tilespmem:$0x10200] =	vst v63  }
0x8a: {  	s28 =	sadd.s32 s3, s25;
	s29 =	sand.u32 $0x1FFFFFF0, s26;
	s30 =	spop (v2sf)  }
0x8b: {  	[tilespmem:s19], [sflag:$0x1] =	stream.linear.gather [hbm4b:s28+s2], $0x80, $0x38;
	[tilespmem:$0x10200] =	vst v63  }
0x8c: {  	s31 =	sadd.s32 s3, s29;
	s0 =	sand.u32 $0x1FFFFFF0, s30;
	s1 =	spop (v2sf)  }
0x8d: {  	[tilespmem:s20], [sflag:$0x1] =	stream.linear.gather [hbm4b:s31+s2], $0x80, $0x38;
	[tilespmem:$0x10200] =	vst v63  }
0x8e: {  	s20 =	sadd.s32 s3, s0;
	s22 =	sand.u32 $0x1FFFFFF0, s1;
	s23 =	spop (v2sf)  }
0x8f: {  	[tilespmem:s21], [sflag:$0x1] =	stream.linear.gather [hbm4b:s20+s2], $0x80, $0x38;
	[tilespmem:$0x10200] =	vst v63  }
0x90: {  	s24 =	sadd.s32 s3, s22;
	s25 =	sand.u32 $0x1FFFFFF0, s23;
	s26 =	spop (v2sf)  }
0x91: {  	[tilespmem:s18], [sflag:$0x1] =	stream.linear.gather [hbm4b:s24+s2], $0x80, $0x38;
	[tilespmem:$0x10200] =	vst v63  }
0x92: {  	s28 =	sadd.s32 s3, s25;
	s29 =	sand.u32 $0x1FFFFFF0, s26;
	s30 =	spop (v2sf)  }
0x93: {  	[tilespmem:s17], [sflag:$0x1] =	stream.linear.gather [hbm4b:s28+s2], $0x80, $0x38;
	[tilespmem:$0x10200] =	vst v63  }
0x94: {  	s31 =	sadd.s32 s3, s29;
	s0 =	sand.u32 $0x1FFFFFF0, s30;
	s1 =	spop (v2sf)  }
0x95: {  	[tilespmem:s16], [sflag:$0x1] =	stream.linear.gather [hbm4b:s31+s2], $0x80, $0x38;
	[tilespmem:$0x10200] =	vst v63  }
0x96: {  	s18 =	sadd.s32 s3, s0;
	s19 =	sand.u32 $0x1FFFFFF0, s1;
	s20 =	spop (v2sf)  }
0x97: {  	[tilespmem:s15], [sflag:$0x1] =	stream.linear.gather [hbm4b:s18+s2], $0x80, $0x38;
	[tilespmem:$0x10200] =	vst v63  }
0x98: {  	s21 =	sadd.s32 s3, s19;
	s22 =	sand.u32 $0x1FFFFFF0, s20;
	s23 =	spop (v2sf)  }
0x99: {  	[tilespmem:s14], [sflag:$0x1] =	stream.linear.gather [hbm4b:s21+s2], $0x80, $0x38;
	[tilespmem:$0x10200] =	vst v63  }
0x9a: {  	s24 =	simm.s32 $0x1900;
	s25 =	sadd.s32 s3, s22;
	s26 =	sand.u32 $0x1FFFFFF0, s23  }
0x9b: {  	[tilespmem:s24], [sflag:$0x1] =	stream.linear.gather [hbm4b:s25+s2], $0x80, $0x38;
	[tilespmem:$0x10200] =	vst v63  }
0x9c: {  	s28 =	simm.s32 $0x1980;
	s29 =	sadd.s32 s3, s26  }
0x9d: {  	[tilespmem:s28], [sflag:$0x1] =	stream.linear.gather [hbm4b:s29+s2], $0x80, $0x38;
	[tilespmem:$0x10200] =	vst v63  }
0x9e: {  	v63 =	vld [tilespmem:s13+$0x10];
	_ =	sdelay $0x4  }
0x9f: {  	v0 =	vshll.u32 v63, $0x4  }
0xa0: {  	(v2sf) =	vpush v0, $0x0  }
0xa1: {  	(v2sf) =	vpush v0, $0x1  }
0xa2: {  	(v2sf) =	vpush v0, $0x2;
	_ =	sdelay $0x1  }
0xa3: {  	(v2sf) =	vpush v0, $0x3  }
0xa4: {  	(v2sf) =	vpush v0, $0x4;
	_ =	sdelay $0x1  }
0xa5: {  	(v2sf) =	vpush v0, $0x5;
	_ =	sdelay $0x1  }
0xa6: {  	(v2sf) =	vpush v0, $0x6;
	_ =	sdelay $0x1  }
0xa7: {  	(v2sf) =	vpush v0, $0x7  }
0xa8: {  	s19 =	simm.s32 $0x1D80;
	s20 =	simm.s32 $0x1E00  }
0xa9: {  	s17 =	simm.s32 $0x2000;
	s22 =	simm.s32 $0x1C00;
	s16 =	simm.s32 $0x2080;
	(v2sf) =	vpush v0, $0x8  }
0xaa: {  	s23 =	simm.s32 $0x1C80;
	s31 =	simm.s32 $0x1A00;
	s15 =	simm.s32 $0x1E80  }
0xab: {  	s18 =	simm.s32 $0x1D00;
	s14 =	simm.s32 $0x0;
	s30 =	spop (v2sf);
	(v2sf) =	vpush v0, $0x9  }
0xac: {  	s21 =	simm.s32 $0x1B80;
	s26 =	sand.u32 $0x1FFFFFF0, s30;
	s0 =	spop (v2sf)  }
0xad: {  	s24 =	simm.s32 $0x1A80;
	s26 =	sadd.s32 s3, s26;
	s1 =	spop (v2sf)  }
0xae: {  	(v2sf) =	vpush v0, $0xA;
	[tilespmem:s31], [sflag:$0x1] =	stream.linear.gather [hbm4b:s26+s2], $0x80, $0x38;
	[tilespmem:$0x10200] =	vst v63  }
0xaf: {  	s29 =	sand.u32 $0x1FFFFFF0, s0;
	s0 =	sand.u32 $0x1FFFFFF0, s1;
	s1 =	spop (v2sf)  }
0xb0: {  	s25 =	simm.s32 $0x1B00;
	(v2sf) =	vpush v0, $0xB;
	s31 =	sadd.s32 s3, s29;
	s30 =	spop (v2sf)  }
0xb1: {  	[tilespmem:s24], [sflag:$0x1] =	stream.linear.gather [hbm4b:s31+s2], $0x80, $0x38;
	[tilespmem:$0x10200] =	vst v63  }
0xb2: {  	(v2sf) =	vpush v0, $0xC;
	s26 =	sadd.s32 s3, s0;
	s29 =	sand.u32 $0x1FFFFFF0, s1;
	s1 =	spop (v2sf)  }
0xb3: {  	[tilespmem:s25], [sflag:$0x1] =	stream.linear.gather [hbm4b:s26+s2], $0x80, $0x38;
	[tilespmem:$0x10200] =	vst v63  }
0xb4: {  	s31 =	sadd.s32 s3, s29;
	s0 =	sand.u32 $0x1FFFFFF0, s30;
	s30 =	spop (v2sf)  }
0xb5: {  	[tilespmem:s21], [sflag:$0x1] =	stream.linear.gather [hbm4b:s31+s2], $0x80, $0x38;
	[tilespmem:$0x10200] =	vst v63  }
0xb6: {  	(v2sf) =	vpush v0, $0xD;
	s28 =	sadd.s32 s3, s0;
	s29 =	sand.u32 $0x1FFFFFF0, s1;
	s1 =	spop (v2sf)  }
0xb7: {  	[tilespmem:s22], [sflag:$0x1] =	stream.linear.gather [hbm4b:s28+s2], $0x80, $0x38;
	[tilespmem:$0x10200] =	vst v63  }
0xb8: {  	s13 =	simm.s32 $0x8000;
	(v2sf) =	vpush v0, $0xE;
	s26 =	spop (v2sf);
	s31 =	sadd.s32 s3, s29  }
0xb9: {  	[tilespmem:s23], [sflag:$0x1] =	stream.linear.gather [hbm4b:s31+s2], $0x80, $0x38;
	[tilespmem:$0x10200] =	vst v63  }
0xba: {  	s0 =	sand.u32 $0x1FFFFFF0, s30;
	s25 =	sand.u32 $0x1FFFFFF0, s1;
	s30 =	spop (v2sf);
	(v2sf) =	vpush v0, $0xF  }
0xbb: {  	s29 =	sand.u32 $0x1FFFFFF0, s26;
	s28 =	sadd.s32 s3, s25;
	s23 =	sadd.s32 s3, s0  }
0xbc: {  	[tilespmem:s18], [sflag:$0x1] =	stream.linear.gather [hbm4b:s23+s2], $0x80, $0x38;
	[tilespmem:$0x10200] =	vst v63  }
0xbd: {  	s25 =	simm.s32 $0x1F00;
	s31 =	sadd.s32 s3, s29;
	s1 =	spop (v2sf)  }
0xbe: {  	[tilespmem:s19], [sflag:$0x1] =	stream.linear.gather [hbm4b:s28+s2], $0x80, $0x38;
	[tilespmem:$0x10200] =	vst v63  }
0xbf: {  	s29 =	simm.s32 $0x1F80;
	s0 =	sand.u32 $0x1FFFFFF0, s30;
	s24 =	spop (v2sf)  }
0xc0: {  	[tilespmem:s20], [sflag:$0x1] =	stream.linear.gather [hbm4b:s31+s2], $0x80, $0x38;
	[tilespmem:$0x10200] =	vst v63  }
0xc1: {  	s22 =	sadd.s32 s3, s0;
	s23 =	sand.u32 $0x1FFFFFF0, s1;
	s30 =	spop (v2sf)  }
0xc2: {  	[tilespmem:s15], [sflag:$0x1] =	stream.linear.gather [hbm4b:s22+s2], $0x80, $0x38;
	[tilespmem:$0x10200] =	vst v63  }
0xc3: {  	s26 =	sadd.s32 s3, s23;
	s28 =	sand.u32 $0x1FFFFFF0, s24;
	s18 =	sand.u32 $0x1FFFFFF0, s30  }
0xc4: {  	[tilespmem:s25], [sflag:$0x1] =	stream.linear.gather [hbm4b:s26+s2], $0x80, $0x38;
	[tilespmem:$0x10200] =	vst v63  }
0xc5: {  	s19 =	sadd.s32 s3, s28;
	s31 =	spop (v2sf);
	s20 =	sadd.s32 s3, s18  }
0xc6: {  	[tilespmem:s29], [sflag:$0x1] =	stream.linear.gather [hbm4b:s19+s2], $0x80, $0x38;
	[tilespmem:$0x10200] =	vst v63  }
0xc7: {  	s18 =	sand.u32 $0x1FFFFFF0, s31;
	s15 =	simm.s32 $0x60;
	s19 =	spop (v2sf)  }
.LBB2_2:
0xc8: {  	[tilespmem:s17], [sflag:$0x1] =	stream.linear.gather [hbm4b:s20+s2], $0x80, $0x38;
	[tilespmem:$0x10200] =	vst v63  }
0xc9: {  	s17 =	sadd.s32 s3, s18;
	s18 =	sand.u32 $0x1FFFFFF0, s19;
	s19 =	spop (v2sf)  }
0xca: {  	[tilespmem:s16], [sflag:$0x1] =	stream.linear.gather [hbm4b:s17+s2], $0x80, $0x38;
	[tilespmem:$0x10200] =	vst v63  }
0xcb: {  	s16 =	sadd.s32 $0x2100, s14;
	s17 =	sadd.s32 s3, s18;
	s18 =	sand.u32 $0x1FFFFFF0, s19  }
0xcc: {  	[tilespmem:s16], [sflag:$0x1] =	stream.linear.gather [hbm4b:s17+s2], $0x80, $0x38;
	[tilespmem:$0x10200] =	vst v63  }
0xcd: {  	p0 =	sne.s32 s13, $0x38000;
	s14 =	sadd.s32 $0x2180, s14;
	s16 =	sadd.s32 s3, s18  }
0xce: {  	[tilespmem:s14], [sflag:$0x1] =	stream.linear.gather [hbm4b:s16+s2], $0x80, $0x38;
	[tilespmem:$0x10200] =	vst v63  }
0xcf: {  	s14 =	smov.u32 s13;
	s13 =	sadd.s32 $0x8000, s13;
	v0 =	vld [tilespmem:s15+$0xFFFFFFE0];
	_ =	sdelay $0x4  }
0xd0: {  	v0 =	vshll.u32 v0, $0x4  }
0xd1: {  	(v2sf) =	vpush v0, $0x1  }
0xd2: {  	(v2sf) =	vpush v0, $0x0  }
0xd3: {  	(v2sf) =	vpush v0, $0x2  }
0xd4: {  	(v2sf) =	vpush v0, $0x3  }
0xd5: {  	(v2sf) =	vpush v0, $0x4;
	_ =	sdelay $0x1  }
0xd6: {  	(v2sf) =	vpush v0, $0x5;
	_ =	sdelay $0x3  }
0xd7: {  	(v2sf) =	vpush v0, $0x6;
	_ =	sdelay $0x1  }
0xd8: {  	s14 =	sshra.s32 s14, $0x2  }
0xd9: {  	s17 =	sadd.s32 $0x800, s14;
	s16 =	sadd.s32 $0x880, s14  }
0xda: {  	s22 =	sadd.s32 $0x200, s14;
	s23 =	sadd.s32 $0x280, s14;
	s18 =	sadd.s32 $0x780, s14;
	(v2sf) =	vpush v0, $0x7  }
0xdb: {  	s20 =	sadd.s32 $0x680, s14;
	s19 =	sadd.s32 $0x700, s14;
	s21 =	spop (v2sf)  }
0xdc: {  	s25 =	sadd.s32 $0x300, s14;
	s24 =	sand.u32 $0x1FFFFFF0, s21;
	s21 =	spop (v2sf);
	(v2sf) =	vpush v0, $0x8  }
0xdd: {  	s26 =	sand.u32 $0x1FFFFFF0, s21;
	s21 =	sadd.s32 $0x600, s14;
	s28 =	spop (v2sf)  }
0xde: {  	s26 =	sadd.s32 s3, s26;
	s28 =	sand.u32 $0x1FFFFFF0, s28;
	s29 =	spop (v2sf);
	(v2sf) =	vpush v0, $0x9  }
0xdf: {  	s30 =	sadd.s32 $0x580, s14;
	s29 =	sand.u32 $0x1FFFFFF0, s29;
	s31 =	spop (v2sf)  }
0xe0: {  	[tilespmem:s22], [sflag:$0x1] =	stream.linear.gather [hbm4b:s26+s2], $0x80, $0x38;
	(v2sf) =	vpush v0, $0xA;
	[tilespmem:$0x10200] =	vst v63  }
0xe1: {  	s22 =	sadd.s32 s3, s24;
	s24 =	sand.u32 $0x1FFFFFF0, s31;
	s26 =	spop (v2sf)  }
0xe2: {  	[tilespmem:s23], [sflag:$0x1] =	stream.linear.gather [hbm4b:s22+s2], $0x80, $0x38;
	(v2sf) =	vpush v0, $0xB;
	[tilespmem:$0x10200] =	vst v63  }
0xe3: {  	s22 =	sadd.s32 s3, s28;
	s23 =	sadd.s32 $0x380, s14;
	s26 =	sand.u32 $0x1FFFFFF0, s26  }
0xe4: {  	[tilespmem:s25], [sflag:$0x1] =	stream.linear.gather [hbm4b:s22+s2], $0x80, $0x38;
	(v2sf) =	vpush v0, $0xC;
	[tilespmem:$0x10200] =	vst v63  }
0xe5: {  	s22 =	sadd.s32 s3, s29;
	s25 =	sadd.s32 $0x400, s14;
	s28 =	spop (v2sf)  }
0xe6: {  	[tilespmem:s23], [sflag:$0x1] =	stream.linear.gather [hbm4b:s22+s2], $0x80, $0x38;
	(v2sf) =	vpush v0, $0xD;
	[tilespmem:$0x10200] =	vst v63  }
0xe7: {  	s22 =	sadd.s32 s3, s24;
	s23 =	sadd.s32 $0x480, s14;
	s24 =	sand.u32 $0x1FFFFFF0, s28  }
0xe8: {  	[tilespmem:s25], [sflag:$0x1] =	stream.linear.gather [hbm4b:s22+s2], $0x80, $0x38;
	(v2sf) =	vpush v0, $0xE;
	[tilespmem:$0x10200] =	vst v63  }
0xe9: {  	s22 =	sadd.s32 s3, s26;
	s25 =	sadd.s32 $0x500, s14;
	s26 =	spop (v2sf)  }
0xea: {  	[tilespmem:s23], [sflag:$0x1] =	stream.linear.gather [hbm4b:s22+s2], $0x80, $0x38;
	(v2sf) =	vpush v0, $0xF;
	[tilespmem:$0x10200] =	vst v63  }
0xeb: {  	s22 =	sadd.s32 s3, s24;
	s23 =	sand.u32 $0x1FFFFFF0, s26;
	s24 =	spop (v2sf)  }
0xec: {  	[tilespmem:s25], [sflag:$0x1] =	stream.linear.gather [hbm4b:s22+s2], $0x80, $0x38;
	[tilespmem:$0x10200] =	vst v63  }
0xed: {  	s22 =	sadd.s32 s3, s23;
	s23 =	sand.u32 $0x1FFFFFF0, s24;
	s24 =	spop (v2sf)  }
0xee: {  	[tilespmem:s30], [sflag:$0x1] =	stream.linear.gather [hbm4b:s22+s2], $0x80, $0x38;
	[tilespmem:$0x10200] =	vst v63  }
0xef: {  	s22 =	sadd.s32 s3, s23;
	s23 =	sand.u32 $0x1FFFFFF0, s24;
	s24 =	spop (v2sf)  }
0xf0: {  	[tilespmem:s21], [sflag:$0x1] =	stream.linear.gather [hbm4b:s22+s2], $0x80, $0x38;
	[tilespmem:$0x10200] =	vst v63  }
0xf1: {  	s21 =	sadd.s32 s3, s23;
	s22 =	sand.u32 $0x1FFFFFF0, s24;
	s23 =	spop (v2sf)  }
0xf2: {  	[tilespmem:s20], [sflag:$0x1] =	stream.linear.gather [hbm4b:s21+s2], $0x80, $0x38;
	[tilespmem:$0x10200] =	vst v63  }
0xf3: {  	s20 =	sadd.s32 s3, s22;
	s21 =	sand.u32 $0x1FFFFFF0, s23;
	s22 =	spop (v2sf)  }
0xf4: {  	[tilespmem:s19], [sflag:$0x1] =	stream.linear.gather [hbm4b:s20+s2], $0x80, $0x38;
	[tilespmem:$0x10200] =	vst v63  }
0xf5: {  	s19 =	sadd.s32 s3, s21;
	s20 =	sand.u32 $0x1FFFFFF0, s22;
	s21 =	spop (v2sf)  }
0xf6: {  	[tilespmem:s18], [sflag:$0x1] =	stream.linear.gather [hbm4b:s19+s2], $0x80, $0x38;
	[tilespmem:$0x10200] =	vst v63  }
0xf7: {  	s18 =	sadd.s32 s3, s20;
	s19 =	sand.u32 $0x1FFFFFF0, s21;
	s20 =	spop (v2sf)  }
0xf8: {  	[tilespmem:s17], [sflag:$0x1] =	stream.linear.gather [hbm4b:s18+s2], $0x80, $0x38;
	[tilespmem:$0x10200] =	vst v63  }
0xf9: {  	s17 =	sadd.s32 s3, s19;
	s18 =	sand.u32 $0x1FFFFFF0, s20;
	s19 =	spop (v2sf)  }
0xfa: {  	[tilespmem:s16], [sflag:$0x1] =	stream.linear.gather [hbm4b:s17+s2], $0x80, $0x38;
	[tilespmem:$0x10200] =	vst v63  }
0xfb: {  	s16 =	sadd.s32 $0x900, s14;
	s17 =	sadd.s32 s3, s18;
	s18 =	sand.u32 $0x1FFFFFF0, s19  }
0xfc: {  	[tilespmem:s16], [sflag:$0x1] =	stream.linear.gather [hbm4b:s17+s2], $0x80, $0x38;
	[tilespmem:$0x10200] =	vst v63  }
0xfd: {  	s16 =	sadd.s32 $0x980, s14;
	s17 =	sadd.s32 s3, s18  }
0xfe: {  	[tilespmem:s16], [sflag:$0x1] =	stream.linear.gather [hbm4b:s17+s2], $0x80, $0x38;
	[tilespmem:$0x10200] =	vst v63  }
0xff: {  	v0 =	vld [tilespmem:s15+$0xFFFFFFF0];
	_ =	sdelay $0x4  }
0x100: {  	v0 =	vshll.u32 v0, $0x4  }
0x101: {  	(v2sf) =	vpush v0, $0x0  }
0x102: {  	(v2sf) =	vpush v0, $0x1  }
0x103: {  	(v2sf) =	vpush v0, $0x2;
	_ =	sdelay $0x1  }
0x104: {  	(v2sf) =	vpush v0, $0x3;
	_ =	sdelay $0x1  }
0x105: {  	(v2sf) =	vpush v0, $0x4;
	_ =	sdelay $0x1  }
0x106: {  	(v2sf) =	vpush v0, $0x5;
	_ =	sdelay $0x1  }
0x107: {  	(v2sf) =	vpush v0, $0x6  }
0x108: {  	s17 =	sadd.s32 $0x1000, s14;
	s16 =	sadd.s32 $0x1080, s14  }
0x109: {  	s20 =	sadd.s32 $0xE80, s14;
	s19 =	sadd.s32 $0xF00, s14;
	s18 =	sadd.s32 $0xF80, s14;
	(v2sf) =	vpush v0, $0x7  }
0x10a: {  	s23 =	sadd.s32 $0xD00, s14;
	s22 =	sadd.s32 $0xD80, s14;
	s21 =	sadd.s32 $0xE00, s14  }
0x10b: {  	s26 =	sadd.s32 $0xC80, s14;
	s25 =	sadd.s32 $0xC00, s14;
	s24 =	sadd.s32 $0xB80, s14;
	(v2sf) =	vpush v0, $0x8  }
0x10c: {  	s29 =	sadd.s32 $0xB00, s14;
	s28 =	sadd.s32 $0xA80, s14;
	s30 =	spop (v2sf)  }
0x10d: {  	s31 =	sadd.s32 $0xA00, s14;
	s30 =	sand.u32 $0x1FFFFFF0, s30;
	s0 =	spop (v2sf);
	(v2sf) =	vpush v0, $0x9  }
0x10e: {  	s30 =	sadd.s32 s3, s30;
	s0 =	sand.u32 $0x1FFFFFF0, s0;
	s1 =	spop (v2sf)  }
0x10f: {  	[tilespmem:s31], [sflag:$0x1] =	stream.linear.gather [hbm4b:s30+s2], $0x80, $0x38;
	(v2sf) =	vpush v0, $0xA;
	[tilespmem:$0x10200] =	vst v63  }
0x110: {  	s0 =	sadd.s32 s3, s0;
	s1 =	sand.u32 $0x1FFFFFF0, s1;
	s30 =	spop (v2sf)  }
0x111: {  	[tilespmem:s28], [sflag:$0x1] =	stream.linear.gather [hbm4b:s0+s2], $0x80, $0x38;
	(v2sf) =	vpush v0, $0xB;
	[tilespmem:$0x10200] =	vst v63  }
0x112: {  	s0 =	sadd.s32 s3, s1;
	s1 =	sand.u32 $0x1FFFFFF0, s30;
	s28 =	spop (v2sf)  }
0x113: {  	[tilespmem:s29], [sflag:$0x1] =	stream.linear.gather [hbm4b:s0+s2], $0x80, $0x38;
	(v2sf) =	vpush v0, $0xC;
	[tilespmem:$0x10200] =	vst v63  }
0x114: {  	s0 =	sadd.s32 s3, s1;
	s1 =	sand.u32 $0x1FFFFFF0, s28;
	s28 =	spop (v2sf)  }
0x115: {  	[tilespmem:s24], [sflag:$0x1] =	stream.linear.gather [hbm4b:s0+s2], $0x80, $0x38;
	(v2sf) =	vpush v0, $0xD;
	[tilespmem:$0x10200] =	vst v63  }
0x116: {  	s0 =	sadd.s32 s3, s1;
	s1 =	sand.u32 $0x1FFFFFF0, s28;
	s24 =	spop (v2sf)  }
0x117: {  	[tilespmem:s25], [sflag:$0x1] =	stream.linear.gather [hbm4b:s0+s2], $0x80, $0x38;
	(v2sf) =	vpush v0, $0xE;
	[tilespmem:$0x10200] =	vst v63  }
0x118: {  	s0 =	sadd.s32 s3, s1;
	s1 =	sand.u32 $0x1FFFFFF0, s24;
	s24 =	spop (v2sf)  }
0x119: {  	[tilespmem:s26], [sflag:$0x1] =	stream.linear.gather [hbm4b:s0+s2], $0x80, $0x38;
	(v2sf) =	vpush v0, $0xF;
	[tilespmem:$0x10200] =	vst v63  }
0x11a: {  	s0 =	sadd.s32 s3, s1;
	s1 =	sand.u32 $0x1FFFFFF0, s24;
	s24 =	spop (v2sf)  }
0x11b: {  	[tilespmem:s23], [sflag:$0x1] =	stream.linear.gather [hbm4b:s0+s2], $0x80, $0x38;
	[tilespmem:$0x10200] =	vst v63  }
0x11c: {  	s0 =	sadd.s32 s3, s1;
	s1 =	sand.u32 $0x1FFFFFF0, s24;
	s23 =	spop (v2sf)  }
0x11d: {  	[tilespmem:s22], [sflag:$0x1] =	stream.linear.gather [hbm4b:s0+s2], $0x80, $0x38;
	[tilespmem:$0x10200] =	vst v63  }
0x11e: {  	s0 =	sadd.s32 s3, s1;
	s1 =	sand.u32 $0x1FFFFFF0, s23;
	s22 =	spop (v2sf)  }
0x11f: {  	[tilespmem:s21], [sflag:$0x1] =	stream.linear.gather [hbm4b:s0+s2], $0x80, $0x38;
	[tilespmem:$0x10200] =	vst v63  }
0x120: {  	s0 =	sadd.s32 s3, s1;
	s1 =	sand.u32 $0x1FFFFFF0, s22;
	s21 =	spop (v2sf)  }
0x121: {  	[tilespmem:s20], [sflag:$0x1] =	stream.linear.gather [hbm4b:s0+s2], $0x80, $0x38;
	[tilespmem:$0x10200] =	vst v63  }
0x122: {  	s0 =	sadd.s32 s3, s1;
	s1 =	sand.u32 $0x1FFFFFF0, s21;
	s20 =	spop (v2sf)  }
0x123: {  	[tilespmem:s19], [sflag:$0x1] =	stream.linear.gather [hbm4b:s0+s2], $0x80, $0x38;
	[tilespmem:$0x10200] =	vst v63  }
0x124: {  	s0 =	sadd.s32 s3, s1;
	s1 =	sand.u32 $0x1FFFFFF0, s20;
	s19 =	spop (v2sf)  }
0x125: {  	[tilespmem:s18], [sflag:$0x1] =	stream.linear.gather [hbm4b:s0+s2], $0x80, $0x38;
	[tilespmem:$0x10200] =	vst v63  }
0x126: {  	s0 =	sadd.s32 s3, s1;
	s1 =	sand.u32 $0x1FFFFFF0, s19;
	s18 =	spop (v2sf)  }
0x127: {  	[tilespmem:s17], [sflag:$0x1] =	stream.linear.gather [hbm4b:s0+s2], $0x80, $0x38;
	[tilespmem:$0x10200] =	vst v63  }
0x128: {  	s0 =	sadd.s32 s3, s1;
	s1 =	sand.u32 $0x1FFFFFF0, s18;
	s17 =	spop (v2sf)  }
0x129: {  	[tilespmem:s16], [sflag:$0x1] =	stream.linear.gather [hbm4b:s0+s2], $0x80, $0x38;
	[tilespmem:$0x10200] =	vst v63  }
0x12a: {  	s1 =	sadd.s32 s3, s1;
	s0 =	sadd.s32 $0x1100, s14;
	s16 =	sand.u32 $0x1FFFFFF0, s17  }
0x12b: {  	[tilespmem:s0], [sflag:$0x1] =	stream.linear.gather [hbm4b:s1+s2], $0x80, $0x38;
	[tilespmem:$0x10200] =	vst v63  }
0x12c: {  	s0 =	sadd.s32 $0x1180, s14;
	s1 =	sadd.s32 s3, s16  }
0x12d: {  	[tilespmem:s0], [sflag:$0x1] =	stream.linear.gather [hbm4b:s1+s2], $0x80, $0x38;
	[tilespmem:$0x10200] =	vst v63  }
0x12e: {  	v0 =	vld [tilespmem:s15+$0x0];
	_ =	sdelay $0x4  }
0x12f: {  	v0 =	vshll.u32 v0, $0x4  }
0x130: {  	(v2sf) =	vpush v0, $0x0  }
0x131: {  	(v2sf) =	vpush v0, $0x1  }
0x132: {  	(v2sf) =	vpush v0, $0x2;
	_ =	sdelay $0x1  }
0x133: {  	(v2sf) =	vpush v0, $0x3;
	_ =	sdelay $0x1  }
0x134: {  	(v2sf) =	vpush v0, $0x4;
	_ =	sdelay $0x1  }
0x135: {  	(v2sf) =	vpush v0, $0x5;
	_ =	sdelay $0x1  }
0x136: {  	(v2sf) =	vpush v0, $0x6  }
0x137: {  	s17 =	sadd.s32 $0x1800, s14;
	s16 =	sadd.s32 $0x1880, s14  }
0x138: {  	s20 =	sadd.s32 $0x1680, s14;
	s19 =	sadd.s32 $0x1700, s14;
	s18 =	sadd.s32 $0x1780, s14;
	(v2sf) =	vpush v0, $0x7  }
0x139: {  	s23 =	sadd.s32 $0x1500, s14;
	s22 =	sadd.s32 $0x1580, s14;
	s21 =	sadd.s32 $0x1600, s14  }
0x13a: {  	s24 =	sadd.s32 $0x1480, s14;
	s0 =	sadd.s32 $0x1380, s14;
	s1 =	sadd.s32 $0x1400, s14;
	(v2sf) =	vpush v0, $0x8  }
0x13b: {  	s25 =	sadd.s32 $0x1280, s14;
	s26 =	sadd.s32 $0x1300, s14;
	s28 =	spop (v2sf)  }
0x13c: {  	s29 =	sadd.s32 $0x1200, s14;
	s28 =	sand.u32 $0x1FFFFFF0, s28;
	s30 =	spop (v2sf);
	(v2sf) =	vpush v0, $0x9  }
0x13d: {  	s28 =	sadd.s32 s3, s28;
	s30 =	sand.u32 $0x1FFFFFF0, s30;
	s31 =	spop (v2sf)  }
0x13e: {  	[tilespmem:s29], [sflag:$0x1] =	stream.linear.gather [hbm4b:s28+s2], $0x80, $0x38;
	(v2sf) =	vpush v0, $0xA;
	[tilespmem:$0x10200] =	vst v63  }
0x13f: {  	s28 =	sadd.s32 s3, s30;
	s29 =	sand.u32 $0x1FFFFFF0, s31;
	s30 =	spop (v2sf)  }
0x140: {  	[tilespmem:s25], [sflag:$0x1] =	stream.linear.gather [hbm4b:s28+s2], $0x80, $0x38;
	(v2sf) =	vpush v0, $0xB;
	[tilespmem:$0x10200] =	vst v63  }
0x141: {  	s25 =	sadd.s32 s3, s29;
	s28 =	sand.u32 $0x1FFFFFF0, s30;
	s29 =	spop (v2sf)  }
0x142: {  	[tilespmem:s26], [sflag:$0x1] =	stream.linear.gather [hbm4b:s25+s2], $0x80, $0x38;
	(v2sf) =	vpush v0, $0xC;
	[tilespmem:$0x10200] =	vst v63  }
0x143: {  	s25 =	sadd.s32 s3, s28;
	s26 =	sand.u32 $0x1FFFFFF0, s29;
	s28 =	spop (v2sf)  }
0x144: {  	[tilespmem:s0], [sflag:$0x1] =	stream.linear.gather [hbm4b:s25+s2], $0x80, $0x38;
	(v2sf) =	vpush v0, $0xD;
	[tilespmem:$0x10200] =	vst v63  }
0x145: {  	s0 =	sadd.s32 s3, s26;
	s25 =	sand.u32 $0x1FFFFFF0, s28;
	s26 =	spop (v2sf)  }
0x146: {  	[tilespmem:s1], [sflag:$0x1] =	stream.linear.gather [hbm4b:s0+s2], $0x80, $0x38;
	(v2sf) =	vpush v0, $0xE;
	[tilespmem:$0x10200] =	vst v63  }
0x147: {  	s0 =	sadd.s32 s3, s25;
	s1 =	sand.u32 $0x1FFFFFF0, s26;
	s25 =	spop (v2sf)  }
0x148: {  	[tilespmem:s24], [sflag:$0x1] =	stream.linear.gather [hbm4b:s0+s2], $0x80, $0x38;
	(v2sf) =	vpush v0, $0xF;
	[tilespmem:$0x10200] =	vst v63  }
0x149: {  	s0 =	sadd.s32 s3, s1;
	s1 =	sand.u32 $0x1FFFFFF0, s25;
	s24 =	spop (v2sf)  }
0x14a: {  	[tilespmem:s23], [sflag:$0x1] =	stream.linear.gather [hbm4b:s0+s2], $0x80, $0x38;
	[tilespmem:$0x10200] =	vst v63  }
0x14b: {  	s0 =	sadd.s32 s3, s1;
	s1 =	sand.u32 $0x1FFFFFF0, s24;
	s23 =	spop (v2sf)  }
0x14c: {  	[tilespmem:s22], [sflag:$0x1] =	stream.linear.gather [hbm4b:s0+s2], $0x80, $0x38;
	[tilespmem:$0x10200] =	vst v63  }
0x14d: {  	s0 =	sadd.s32 s3, s1;
	s1 =	sand.u32 $0x1FFFFFF0, s23;
	s22 =	spop (v2sf)  }
0x14e: {  	[tilespmem:s21], [sflag:$0x1] =	stream.linear.gather [hbm4b:s0+s2], $0x80, $0x38;
	[tilespmem:$0x10200] =	vst v63  }
0x14f: {  	s0 =	sadd.s32 s3, s1;
	s1 =	sand.u32 $0x1FFFFFF0, s22;
	s21 =	spop (v2sf)  }
0x150: {  	[tilespmem:s20], [sflag:$0x1] =	stream.linear.gather [hbm4b:s0+s2], $0x80, $0x38;
	[tilespmem:$0x10200] =	vst v63  }
0x151: {  	s0 =	sadd.s32 s3, s1;
	s1 =	sand.u32 $0x1FFFFFF0, s21;
	s20 =	spop (v2sf)  }
0x152: {  	[tilespmem:s19], [sflag:$0x1] =	stream.linear.gather [hbm4b:s0+s2], $0x80, $0x38;
	[tilespmem:$0x10200] =	vst v63  }
0x153: {  	s0 =	sadd.s32 s3, s1;
	s1 =	sand.u32 $0x1FFFFFF0, s20;
	s19 =	spop (v2sf)  }
0x154: {  	[tilespmem:s18], [sflag:$0x1] =	stream.linear.gather [hbm4b:s0+s2], $0x80, $0x38;
	[tilespmem:$0x10200] =	vst v63  }
0x155: {  	s0 =	sadd.s32 s3, s1;
	s1 =	sand.u32 $0x1FFFFFF0, s19;
	s18 =	spop (v2sf)  }
0x156: {  	[tilespmem:s17], [sflag:$0x1] =	stream.linear.gather [hbm4b:s0+s2], $0x80, $0x38;
	[tilespmem:$0x10200] =	vst v63  }
0x157: {  	s0 =	sadd.s32 s3, s1;
	s1 =	sand.u32 $0x1FFFFFF0, s18;
	s17 =	spop (v2sf)  }
0x158: {  	[tilespmem:s16], [sflag:$0x1] =	stream.linear.gather [hbm4b:s0+s2], $0x80, $0x38;
	[tilespmem:$0x10200] =	vst v63  }
0x159: {  	s1 =	sadd.s32 s3, s1;
	s0 =	sadd.s32 $0x1900, s14;
	s16 =	sand.u32 $0x1FFFFFF0, s17  }
0x15a: {  	[tilespmem:s0], [sflag:$0x1] =	stream.linear.gather [hbm4b:s1+s2], $0x80, $0x38;
	[tilespmem:$0x10200] =	vst v63  }
0x15b: {  	s0 =	sadd.s32 $0x1980, s14;
	s1 =	sadd.s32 s3, s16  }
0x15c: {  	[tilespmem:s0], [sflag:$0x1] =	stream.linear.gather [hbm4b:s1+s2], $0x80, $0x38;
	[tilespmem:$0x10200] =	vst v63  }
0x15d: {  	v0 =	vld [tilespmem:s15+$0x10];
	_ =	sdelay $0x4  }
0x15e: {  	v0 =	vshll.u32 v0, $0x4  }
0x15f: {  	(v2sf) =	vpush v0, $0x0  }
0x160: {  	(v2sf) =	vpush v0, $0x1  }
0x161: {  	(v2sf) =	vpush v0, $0x2;
	_ =	sdelay $0x1  }
0x162: {  	(v2sf) =	vpush v0, $0x3;
	_ =	sdelay $0x1  }
0x163: {  	(v2sf) =	vpush v0, $0x4;
	_ =	sdelay $0x1  }
0x164: {  	(v2sf) =	vpush v0, $0x5;
	_ =	sdelay $0x1  }
0x165: {  	(v2sf) =	vpush v0, $0x6  }
0x166: {  	s17 =	sadd.s32 $0x2000, s14;
	s16 =	sadd.s32 $0x2080, s14;
	s15 =	sadd.s32 $0x40, s15  }
0x167: {  	s20 =	sadd.s32 $0x1E80, s14;
	s19 =	sadd.s32 $0x1F00, s14;
	s18 =	sadd.s32 $0x1F80, s14;
	(v2sf) =	vpush v0, $0x7  }
0x168: {  	s23 =	sadd.s32 $0x1D00, s14;
	s22 =	sadd.s32 $0x1D80, s14;
	s21 =	sadd.s32 $0x1E00, s14  }
0x169: {  	s24 =	sadd.s32 $0x1C80, s14;
	s0 =	sadd.s32 $0x1B80, s14;
	s1 =	sadd.s32 $0x1C00, s14;
	(v2sf) =	vpush v0, $0x8  }
0x16a: {  	s26 =	sadd.s32 $0x1B00, s14;
	s25 =	sadd.s32 $0x1A80, s14;
	s28 =	spop (v2sf)  }
0x16b: {  	s29 =	sadd.s32 $0x1A00, s14;
	s28 =	sand.u32 $0x1FFFFFF0, s28;
	s30 =	spop (v2sf);
	(v2sf) =	vpush v0, $0x9  }
0x16c: {  	s28 =	sadd.s32 s3, s28;
	s30 =	sand.u32 $0x1FFFFFF0, s30;
	s31 =	spop (v2sf)  }
0x16d: {  	[tilespmem:s29], [sflag:$0x1] =	stream.linear.gather [hbm4b:s28+s2], $0x80, $0x38;
	(v2sf) =	vpush v0, $0xA;
	[tilespmem:$0x10200] =	vst v63  }
0x16e: {  	s28 =	sadd.s32 s3, s30;
	s29 =	sand.u32 $0x1FFFFFF0, s31;
	s30 =	spop (v2sf)  }
0x16f: {  	[tilespmem:s25], [sflag:$0x1] =	stream.linear.gather [hbm4b:s28+s2], $0x80, $0x38;
	(v2sf) =	vpush v0, $0xB;
	[tilespmem:$0x10200] =	vst v63  }
0x170: {  	s25 =	sadd.s32 s3, s29;
	s28 =	sand.u32 $0x1FFFFFF0, s30;
	s29 =	spop (v2sf)  }
0x171: {  	[tilespmem:s26], [sflag:$0x1] =	stream.linear.gather [hbm4b:s25+s2], $0x80, $0x38;
	(v2sf) =	vpush v0, $0xC;
	[tilespmem:$0x10200] =	vst v63  }
0x172: {  	s25 =	sadd.s32 s3, s28;
	s26 =	sand.u32 $0x1FFFFFF0, s29;
	s28 =	spop (v2sf)  }
0x173: {  	[tilespmem:s0], [sflag:$0x1] =	stream.linear.gather [hbm4b:s25+s2], $0x80, $0x38;
	(v2sf) =	vpush v0, $0xD;
	[tilespmem:$0x10200] =	vst v63  }
0x174: {  	s0 =	sadd.s32 s3, s26;
	s25 =	sand.u32 $0x1FFFFFF0, s28;
	s26 =	spop (v2sf)  }
0x175: {  	[tilespmem:s1], [sflag:$0x1] =	stream.linear.gather [hbm4b:s0+s2], $0x80, $0x38;
	(v2sf) =	vpush v0, $0xE;
	[tilespmem:$0x10200] =	vst v63  }
0x176: {  	s0 =	sadd.s32 s3, s25;
	s1 =	sand.u32 $0x1FFFFFF0, s26;
	s25 =	spop (v2sf)  }
0x177: {  	[tilespmem:s24], [sflag:$0x1] =	stream.linear.gather [hbm4b:s0+s2], $0x80, $0x38;
	(v2sf) =	vpush v0, $0xF;
	[tilespmem:$0x10200] =	vst v63  }
0x178: {  	s0 =	sadd.s32 s3, s1;
	s1 =	sand.u32 $0x1FFFFFF0, s25;
	s24 =	spop (v2sf)  }
0x179: {  	[tilespmem:s23], [sflag:$0x1] =	stream.linear.gather [hbm4b:s0+s2], $0x80, $0x38;
	[tilespmem:$0x10200] =	vst v63  }
0x17a: {  	s0 =	sadd.s32 s3, s1;
	s1 =	sand.u32 $0x1FFFFFF0, s24;
	s23 =	spop (v2sf)  }
0x17b: {  	[tilespmem:s22], [sflag:$0x1] =	stream.linear.gather [hbm4b:s0+s2], $0x80, $0x38;
	[tilespmem:$0x10200] =	vst v63  }
0x17c: {  	s0 =	sadd.s32 s3, s1;
	s1 =	sand.u32 $0x1FFFFFF0, s23;
	s22 =	spop (v2sf)  }
0x17d: {  	[tilespmem:s21], [sflag:$0x1] =	stream.linear.gather [hbm4b:s0+s2], $0x80, $0x38;
	[tilespmem:$0x10200] =	vst v63  }
0x17e: {  	s0 =	sadd.s32 s3, s1;
	s1 =	sand.u32 $0x1FFFFFF0, s22;
	s21 =	spop (v2sf)  }
0x17f: {  	[tilespmem:s20], [sflag:$0x1] =	stream.linear.gather [hbm4b:s0+s2], $0x80, $0x38;
	[tilespmem:$0x10200] =	vst v63  }
0x180: {  	s0 =	sadd.s32 s3, s1  }
.Ltmp0:
0x181: {  	s1 =	sand.u32 $0x1FFFFFF0, s21;
	s20 =	spop (v2sf);
	(pc) =	sbr.rel @p0 .LBB2_2-.Ltmp0, $4  }
0x182: {  	[tilespmem:s19], [sflag:$0x1] =	stream.linear.gather [hbm4b:s0+s2], $0x80, $0x38;
	[tilespmem:$0x10200] =	vst v63  }
0x183: {  	s0 =	sadd.s32 s3, s1;
	s1 =	sand.u32 $0x1FFFFFF0, s20;
	s19 =	spop (v2sf)  }
0x184: {  	[tilespmem:s18], [sflag:$0x1] =	stream.linear.gather [hbm4b:s0+s2], $0x80, $0x38;
	[tilespmem:$0x10200] =	vst v63  }
0x185: {  	s20 =	sadd.s32 s3, s1;
	s18 =	sand.u32 $0x1FFFFFF0, s19;
	s19 =	spop (v2sf)  }
0x186: {  	[tilespmem:s17], [sflag:$0x1] =	stream.linear.gather [hbm4b:s20+s2], $0x80, $0x38;
	[tilespmem:$0x10200] =	vst v63  }
0x187: {  	s0 =	sadd.s32 s3, s18;
	s1 =	sand.u32 $0x1FFFFFF0, s19;
	s13 =	spop (v2sf)  }
0x188: {  	[tilespmem:s16], [sflag:$0x1] =	stream.linear.gather [hbm4b:s0+s2], $0x80, $0x38;
	[tilespmem:$0x10200] =	vst v63  }
0x189: {  	s29 =	sadd.s32 $0x2100, s14;
	s1 =	sadd.s32 s3, s1;
	s13 =	sand.u32 $0x1FFFFFF0, s13  }
0x18a: {  	[tilespmem:s29], [sflag:$0x1] =	stream.linear.gather [hbm4b:s1+s2], $0x80, $0x38;
	[tilespmem:$0x10200] =	vst v63  }
0x18b: {  	s30 =	sadd.s32 $0x2180, s14;
	s31 =	sadd.s32 s3, s13  }
0x18c: {  	[tilespmem:s30], [sflag:$0x1] =	stream.linear.gather [hbm4b:s31+s2], $0x80, $0x38;
	[tilespmem:$0x10200] =	vst v63  }
0x18d: {  	s12 =	sadd.s32 $0x1, s12;
	_ =	swait.ge [sflag:s10], $0x10000  }
0x18e: {  	p0 =	sne.s32 s12, s6;
	[sflag:s10] =	ssyncset.done $0x0  }
.Ltmp1:
0x18f: {  	[sflag:s10] =	ssyncadd.s32 $0xFFFF0000;
	(pc) =	sbr.rel @p0 .LBB2_1-.Ltmp1, $4  }
0x190: {  	[hbm4b:s5+s2] =	stream.linear.scatter [tilespmem:s11], [sflag:$0x2], $0x10000, $0x38;
	[tilespmem:$0x10200] =	vst v63  }
0x191: {  	_ =	swait.ge [sflag:s9], $0x10000  }
0x192: {  	[sflag:s9] =	ssyncset.done $0x0  }
0x193: {  	[sflag:s9] =	ssyncadd.s32 $0xFFFF0000  }
0x194: {  	_ =	sfence.sel $0x180000  }
0x195: {  	[bflag:$0x0] =	sbarrier.arrive $0xFFFF  }
0x196: {  	_ =	strace $0x90000047  }
0x197: {  	s0 =	stileid.u32;
	[bflag:$0x2] =	sbarrier.arrive $0xFFFF  }
0x198: {  	p0 =	sne.s32 s0, $0x0;
	s0 =	rddreg [dreg:$0x2]  }
0x199: {  	s0 =	sadd.s32 @!p0 $0x100000, s0  }
0x19a: {  	[sflag:s0] =	ssyncadd.tile.s32 @!p0 $0x1;
	_ =	shalt  }
.Lfunc_end2:
_tile_overlayer_lowered:
.L_overlay_start_2:
0x19b: {  	(tag) =	ssettag $0x2  }
0x19c: {  	s0 =	rddreg [dreg:$0x0];
	s2 =	stileid.u32  }
0x19d: {  	s1 =	rddreg [dreg:$0x1];
	p0 =	sne.s32 s2, $0x0  }
0x19e: {  	s3 =	rddreg [dreg:$0x2];
	[bflag:$0x3] =	sbarrier.arrive $0xFFFF;
	s2 =	simm.s32 @!p0 $0x1C02  }
0x19f: {  	[timem:s3], [sflag:s2] =	dma.local @!p0 [hbm:s0], s1  }
0x1a0: {  	s0 =	simm.s32 @!p0 $0x2  }
0x1a1: {  	_ =	swait.ge @!p0 [sflag:s0], s1  }
0x1a2: {  	s1 =	ssub.s32 @!p0 $0x0, s1;
	[sflag:s0] =	ssyncset.done @!p0 $0x0  }
0x1a3: {  	[sflag:s0] =	ssyncadd.s32 @!p0 s1  }
0x1a4: {  	[bflag:$0x3] =	sbarrier.arrive $0xFFFF  }
0x1a5: {  	_ =	shalt  }

</sc_bundles>
